<compile_context>
chip_gen: v7x
topology: tpu7x:2x2x1
jax: 0.10.2.dev20260603
libtpu: 0.0.44.dev20260713+nightly
codegen_flags: <defaults>
</compile_context>

<pallas_src>
import functools
import jax
import jax.numpy as jnp
from jax import lax
from jax.experimental import pallas as pl
from jax.experimental.pallas import tpu as pltpu
from jax.experimental.pallas import tpu_sc as plsc

_NC = 2
_NS = 16
_NW = _NC * _NS
_L = 16

_CHUNK = 128
_ACC_ROWS = 10240
_ROWS_PER_TILE = _ACC_ROWS // _NS
_DEG_ROWS = _ACC_ROWS // _L


def _deg_body(n_chunks, dstb_hbm, out_hbm, idx_d, bounce, acc_sh, sem):
    c = lax.axis_index("c")
    s = lax.axis_index("s")
    wid = c * _NS + s

    def fill(val):
        v16 = jnp.full((_L,), val, jnp.float32)

        def row(i, _):
            bounce[i] = v16
            return 0

        lax.fori_loop(0, _CHUNK, row, 0)

    fill(0.0)
    for r in range(_ROWS_PER_TILE // _CHUNK):
        pltpu.sync_copy(bounce, acc_sh.at[pl.ds(s * _ROWS_PER_TILE + r * _CHUNK, _CHUNK)])
    plsc.subcore_barrier()

    fill(1.0)
    pltpu.async_copy(dstb_hbm.at[wid], idx_d, sem).wait()

    def chunk(j, _):
        pltpu.sync_copy(bounce, acc_sh.at[idx_d.at[j]], add=True)
        return 0

    lax.fori_loop(0, n_chunks, chunk, 0)
    plsc.subcore_barrier()

    for r in range(_ROWS_PER_TILE // _CHUNK):
        off = s * _ROWS_PER_TILE + r * _CHUNK
        pltpu.sync_copy(acc_sh.at[pl.ds(off, _CHUNK)], bounce)
        pltpu.sync_copy(bounce, out_hbm.at[c, pl.ds(off, _CHUNK)])


def _agg_body(n_chunks, d, xs_hbm, srcb_hbm, dstb_hbm, out_hbm,
              idx_s, idx_d, rows, acc_sh, sem):
    c = lax.axis_index("c")
    s = lax.axis_index("s")
    wid = c * _NS + s
    z16 = jnp.zeros((_L,), jnp.float32)

    def zero_row(i, _):
        def zero_seg(j, _2):
            rows[i, pl.ds(j * _L, _L)] = z16
            return 0
        lax.fori_loop(0, d // _L, zero_seg, 0)
        return 0

    lax.fori_loop(0, _CHUNK, zero_row, 0)
    for r in range(_ROWS_PER_TILE // _CHUNK):
        pltpu.sync_copy(rows, acc_sh.at[pl.ds(s * _ROWS_PER_TILE + r * _CHUNK, _CHUNK)])
    plsc.subcore_barrier()

    pltpu.async_copy(srcb_hbm.at[wid], idx_s, sem).wait()
    pltpu.async_copy(dstb_hbm.at[wid], idx_d, sem).wait()

    def chunk(j, _):
        pltpu.async_copy(xs_hbm.at[idx_s.at[j]], rows, sem).wait()
        pltpu.sync_copy(rows, acc_sh.at[idx_d.at[j]], add=True)
        return 0

    lax.fori_loop(0, n_chunks, chunk, 0)
    plsc.subcore_barrier()

    for r in range(_ROWS_PER_TILE // _CHUNK):
        off = s * _ROWS_PER_TILE + r * _CHUNK
        pltpu.sync_copy(acc_sh.at[pl.ds(off, _CHUNK)], rows)
        pltpu.sync_copy(rows, out_hbm.at[c, pl.ds(off, _CHUNK)])


def _sc_mesh():
    return plsc.VectorSubcoreMesh(core_axis_name="c", subcore_axis_name="s",
                                  num_cores=_NC, num_subcores=_NS)


def _run_deg(dstb, n_chunks):
    k = pl.kernel(
        functools.partial(_deg_body, n_chunks),
        out_type=jax.ShapeDtypeStruct((_NC, _ACC_ROWS, _L), jnp.float32),
        mesh=_sc_mesh(),
        scratch_types=[
            pltpu.VMEM((n_chunks, _CHUNK), jnp.int32),
            pltpu.VMEM((_CHUNK, _L), jnp.float32),
            pltpu.VMEM_SHARED((_ACC_ROWS, _L), jnp.float32),
            pltpu.SemaphoreType.DMA,
        ],
    )
    return k(dstb)


def _run_agg(xs, srcb, dstb, n_chunks, d):
    k = pl.kernel(
        functools.partial(_agg_body, n_chunks, d),
        out_type=jax.ShapeDtypeStruct((_NC, _ACC_ROWS, d), jnp.float32),
        mesh=_sc_mesh(),
        scratch_types=[
            pltpu.VMEM((n_chunks, _CHUNK), jnp.int32),
            pltpu.VMEM((n_chunks, _CHUNK), jnp.int32),
            pltpu.VMEM((_CHUNK, d), jnp.float32),
            pltpu.VMEM_SHARED((_ACC_ROWS, d), jnp.float32),
            pltpu.SemaphoreType.DMA,
        ],
    )
    return k(xs, srcb, dstb)



def _prep_body(deg_ref, x_ref, dinv_ref, xs_ref):
    deg = jnp.sum(deg_ref[...], axis=0)[:, :1] + 1.0
    dinv = jax.lax.rsqrt(deg)
    dinv_ref[...] = dinv
    xs_ref[...] = x_ref[...] * dinv


def _run_prep(deg3, x):
    n = x.shape[0]
    nb = 10
    bs = n // nb
    return pl.pallas_call(
        _prep_body,
        grid=(nb,),
        in_specs=[
            pl.BlockSpec((_NC, bs, _L), lambda i: (0, i, 0)),
            pl.BlockSpec((bs, 128), lambda i: (i, 0)),
        ],
        out_specs=[
            pl.BlockSpec((bs, 1), lambda i: (i, 0)),
            pl.BlockSpec((bs, 128), lambda i: (i, 0)),
        ],
        out_shape=[
            jax.ShapeDtypeStruct((n, 1), jnp.float32),
            jax.ShapeDtypeStruct((n, 128), jnp.float32),
        ],
    )(deg3, x)


def _layer1_body(p0_ref, p1_ref, dinv_ref, x_ref, w1_ref, b1_ref, w2_ref,
                 h2_ref, hs2_ref):
    dinv = dinv_ref[...]
    t1 = dinv * (p0_ref[...] + p1_ref[...]) + (dinv * dinv) * x_ref[...]
    h = jnp.dot(t1, w1_ref[...], preferred_element_type=jnp.float32) + b1_ref[...]
    h = jnp.maximum(h, 0.0)
    h2 = jnp.dot(h, w2_ref[...], preferred_element_type=jnp.float32)
    h2_ref[...] = h2
    hs2_ref[...] = h2 * dinv


def _run_layer1(p0, p1, dinv, x, w1, b1, w2p):
    n = x.shape[0]
    nb = 10
    bs = n // nb
    dp = w2p.shape[1]
    return pl.pallas_call(
        _layer1_body,
        grid=(nb,),
        in_specs=[
            pl.BlockSpec((bs, 128), lambda i: (i, 0)),
            pl.BlockSpec((bs, 128), lambda i: (i, 0)),
            pl.BlockSpec((bs, 1), lambda i: (i, 0)),
            pl.BlockSpec((bs, 128), lambda i: (i, 0)),
            pl.BlockSpec((128, 128), lambda i: (0, 0)),
            pl.BlockSpec((1, 128), lambda i: (0, 0)),
            pl.BlockSpec((128, dp), lambda i: (0, 0)),
        ],
        out_specs=[
            pl.BlockSpec((bs, dp), lambda i: (i, 0)),
            pl.BlockSpec((bs, dp), lambda i: (i, 0)),
        ],
        out_shape=[
            jax.ShapeDtypeStruct((n, dp), jnp.float32),
            jax.ShapeDtypeStruct((n, dp), jnp.float32),
        ],
    )(p0, p1, dinv, x, w1, b1, w2p)


def _final_body(q0_ref, q1_ref, dinv_ref, h2_ref, b2_ref, out_ref):
    dinv = dinv_ref[...]
    out_ref[...] = (dinv * (q0_ref[...] + q1_ref[...])
                    + (dinv * dinv) * h2_ref[...] + b2_ref[...])


def _run_final(q0, q1, dinv, h2, b2p):
    n = h2.shape[0]
    nb = 10
    bs = n // nb
    dp = h2.shape[1]
    return pl.pallas_call(
        _final_body,
        grid=(nb,),
        in_specs=[
            pl.BlockSpec((bs, dp), lambda i: (i, 0)),
            pl.BlockSpec((bs, dp), lambda i: (i, 0)),
            pl.BlockSpec((bs, 1), lambda i: (i, 0)),
            pl.BlockSpec((bs, dp), lambda i: (i, 0)),
            pl.BlockSpec((1, dp), lambda i: (0, 0)),
        ],
        out_specs=pl.BlockSpec((bs, dp), lambda i: (i, 0)),
        out_shape=jax.ShapeDtypeStruct((n, dp), jnp.float32),
    )(q0, q1, dinv, h2, b2p)


def kernel(x, edge_index, W1, b1, W2, b2):
    n = x.shape[0]
    e = edge_index.shape[1]
    out_dim = W2.shape[1]
    dp = 128

    src = edge_index[0].astype(jnp.int32)
    dst = edge_index[1].astype(jnp.int32)

    n_chunks_total = -(-e // _CHUNK)
    per_w = -(-n_chunks_total // _NW)
    ep = per_w * _NW * _CHUNK
    pad = ep - e
    src_p = jnp.concatenate([src, jnp.zeros((pad,), jnp.int32)])
    dst_p = jnp.concatenate([dst, jnp.full((pad,), n, jnp.int32)])
    srcb = src_p.reshape(_NW, per_w, _CHUNK)
    dstb = dst_p.reshape(_NW, per_w, _CHUNK)

    deg = _run_deg(dstb, per_w)
    dinv, xs = _run_prep(deg[:, :n, :], x)

    p = _run_agg(xs, srcb, dstb, per_w, 128)
    p0 = p[0, :n, :]
    p1 = p[1, :n, :]

    w2p = jnp.pad(W2, ((0, 0), (0, dp - out_dim)))
    b1r = b1.reshape(1, 128)
    h2, hs2 = _run_layer1(p0, p1, dinv, x, W1, b1r, w2p)

    q = _run_agg(hs2, srcb, dstb, per_w, dp)
    q0 = q[0, :n, :]
    q1 = q[1, :n, :]

    b2p = jnp.pad(b2, (0, dp - out_dim)).reshape(1, dp)
    out48 = _run_final(q0, q1, dinv, h2, b2p)
    return (out48[:, :out_dim], None)

# --- scband reference (transcript-rebuilt; emitter-appended) ---
"""Pipeline reference for scband-gcn-34900904247863 (READ-ONLY COPY).

The authoritative reference and input builder live on the scoring server;
editing this copy changes nothing except your own understanding.
"""

import jax, jax.numpy as jnp
import numpy as np

N_NODES = 10000
N_EDGES = 320000
IN_DIM = 128
HIDDEN_DIM = 128
OUT_DIM = 40


def setup_inputs(seed: int = 0) -> dict:
    key = jax.random.key(seed)
    k1, k2, k3, k4, k5, k6 = jax.random.split(key, 6)
    x = jax.random.normal(k1, (N_NODES, IN_DIM), dtype=jnp.float32)
    edge_index = jax.random.randint(k2, (2, N_EDGES), 0, N_NODES, dtype=jnp.int64)
    # Glorot-style init for GCN layer weights
    s1 = float(np.sqrt(2.0 / (IN_DIM + HIDDEN_DIM)))
    s2 = float(np.sqrt(2.0 / (HIDDEN_DIM + OUT_DIM)))
    W1 = jax.random.normal(k3, (IN_DIM, HIDDEN_DIM), dtype=jnp.float32) * s1
    b1 = jnp.zeros((HIDDEN_DIM,), dtype=jnp.float32)
    W2 = jax.random.normal(k4, (HIDDEN_DIM, OUT_DIM), dtype=jnp.float32) * s2
    b2 = jnp.zeros((OUT_DIM,), dtype=jnp.float32)
    return {"x": x, "edge_index": edge_index, "W1": W1, "b1": b1, "W2": W2, "b2": b2}


def _gcn_conv(x, src, dst, norm, W, b):
    # Linear transform then normalized scatter-add aggregation (Kipf & Welling).
    h = x @ W
    msg = jnp.take(h, src, axis=0) * norm[:, None]
    out = jnp.zeros((x.shape[0], h.shape[1]), dtype=h.dtype).at[dst].add(msg)
    return out + b


def _build_norm(edge_index, n_nodes):
    # Add self-loops and compute symmetric normalization D^{-1/2} A_hat D^{-1/2}.
    loop = jnp.arange(n_nodes, dtype=edge_index.dtype)
    src = jnp.concatenate([edge_index[0], loop])
    dst = jnp.concatenate([edge_index[1], loop])
    deg = jnp.zeros((n_nodes,), dtype=jnp.float32).at[dst].add(1.0)
    deg_inv_sqrt = jnp.where(deg > 0, 1.0 / jnp.sqrt(deg), 0.0)
    norm = jnp.take(deg_inv_sqrt, src) * jnp.take(deg_inv_sqrt, dst)
    return src, dst, norm


def reference(x, edge_index, W1, b1, W2, b2):
    src, dst, norm = _build_norm(edge_index, x.shape[0])
    # Layer 1 + ReLU (dropout is identity in eval mode)
    h = _gcn_conv(x, src, dst, norm, W1, b1)
    h = jax.nn.relu(h)
    # Layer 2 (output logits)
    out = _gcn_conv(h, src, dst, norm, W2, b2)
    return (out, None)

if __name__ == "__main__":
    import jax
    _d = setup_inputs()
    print(jax.jit(kernel)(*tuple(_d.values())))

</pallas_src>

<mosaic_0001>
#map = affine_map<(d0, d1) -> (0, 0)>
#map1 = affine_map<(d0, d1) -> (0, 0, 0)>
module attributes {stable_mosaic.version = 14 : i64} {
  func.func @_agg_body(%arg0: i32, %arg1: i32, %arg2: memref<10000x128xf32, #tpu.memory_space<hbm>>, %arg3: memref<32x79x128xi32, #tpu.memory_space<hbm>>, %arg4: memref<32x79x128xi32, #tpu.memory_space<hbm>>, %arg5: memref<2x10240x128xf32, #tpu.memory_space<hbm>>, %arg6: memref<79x128xi32, #tpu.memory_space<vmem>>, %arg7: memref<79x128xi32, #tpu.memory_space<vmem>>, %arg8: memref<128x128xf32, #tpu.memory_space<vmem>>, %arg9: memref<10240x128xf32, #tpu.memory_space<vmem_shared>>, %arg10: memref<!tpu.dma_semaphore, #tpu.memory_space<semaphore_mem>>) attributes {dimension_semantics = [#tpu.dimension_semantics<core_parallel>, #tpu.dimension_semantics<subcore_parallel>], iteration_bounds = array<i64: 2, 16>, scalar_prefetch = 0 : i64, scratch_operands = 5 : i64, tpu.core_type = #tpu.core_type<sc_vector_subcore>, window_params = [{transform_indices = #map}, {transform_indices = #map1}, {transform_indices = #map1}, {transform_indices = #map1}]} {
    %mul3A = arith.constant 16 : i32
    %mul3A_0 = arith.muli %arg0, %mul3A : i32
    %add3A = arith.addi %mul3A_0, %arg1 : i32
    %broadcast_in_dim3A = arith.constant 0.000000e+00 : f32
    %broadcast_in_dim3A_1 = vector.broadcast %broadcast_in_dim3A : f32 to vector<16xf32>
    %scan3A = arith.constant 0 : i32
    %scan3A_2 = arith.constant 0 : i32
    %scan3A_3 = arith.constant 128 : i32
    %scan3A_4 = arith.addi %scan3A_2, %scan3A_3 : i32
    %scan3A_5 = arith.constant 1 : i32
    %scan3A_6 = scf.for %scan3A_86 = %scan3A_2 to %scan3A_4 step %scan3A_5 iter_args(%scan3A_87 = %scan3A) -> (i32)  : i32 {
      %scan3A_88 = arith.constant 0 : i32
      %scan3A_89 = arith.constant 0 : i32
      %scan3A_90 = arith.constant 8 : i32
      %scan3A_91 = arith.addi %scan3A_89, %scan3A_90 : i32
      %scan3A_92 = arith.constant 1 : i32
      %scan3A_93 = scf.for %scan3A_96 = %scan3A_89 to %scan3A_91 step %scan3A_92 iter_args(%scan3A_97 = %scan3A_88) -> (i32)  : i32 {
        %mul3A_98 = arith.constant 16 : i32
        %mul3A_99 = arith.muli %scan3A_96, %mul3A_98 : i32
        %swap3A = arith.index_cast %scan3A_86 : i32 to index
        %swap3A_100 = arith.index_cast %mul3A_99 : i32 to index
        %swap3A_101 = tpu.vector_load %arg8[%swap3A, %swap3A_100] {strides = array<i32>} : memref<128x128xf32, #tpu.memory_space<vmem>>, vector<1x16xf32>,
        %swap3A_102 = vector.shape_cast %swap3A_101 : vector<1x16xf32> to vector<16xf32>
        %swap3A_103 = vector.shape_cast %broadcast_in_dim3A_1 : vector<16xf32> to vector<1x16xf32>
        tpu.vector_store %arg8[%swap3A, %swap3A_100], %swap3A_103 {strides = array<i32>} : memref<128x128xf32, #tpu.memory_space<vmem>>, vector<1x16xf32>,
        %scan3A_104 = arith.constant 0 : i32
        scf.yield %scan3A_104 : i32
      }
      %scan3A_94 = arith.constant 8 : i32
      %scan3A_95 = arith.constant 0 : i32
      scf.yield %scan3A_95 : i32
    }
    %scan3A_7 = arith.constant 128 : i32
    %mul3A_8 = arith.constant 640 : i32
    %mul3A_9 = arith.muli %arg1, %mul3A_8 : i32
    %add3A_10 = arith.constant 0 : i32
    %add3A_11 = arith.addi %mul3A_9, %add3A_10 : i32
    "tpu.region"() ({
      %run_scoped3A = tpu.sem_alloc : memref<!tpu.dma_semaphore, #tpu.memory_space<semaphore_mem>>
      %dma_start3A_86 = arith.constant 0 : i32
      %dma_start3A_87 = tpu.memref_slice %arg9[%add3A_11, %dma_start3A_86] : memref<10240x128xf32, #tpu.memory_space<vmem_shared>> -> memref<128x128xf32, #tpu.memory_space<vmem_shared>>
      %dma_start3A_88 = arith.constant 0 : i32
      %dma_start3A_89 = tpu.memref_slice %arg9[%add3A_11, %dma_start3A_88] : memref<10240x128xf32, #tpu.memory_space<vmem_shared>> -> memref<128x128xf32, #tpu.memory_space<vmem_shared>>
      tpu.enqueue_dma source(%arg8 : memref<128x128xf32, #tpu.memory_space<vmem>>) target(%dma_start3A_89 : memref<128x128xf32, #tpu.memory_space<vmem_shared>>) target_semaphore(%run_scoped3A : memref<!tpu.dma_semaphore, #tpu.memory_space<semaphore_mem>>)
      %dma_wait3A_90 = arith.constant 0 : i32
      %dma_wait3A_91 = tpu.memref_slice %arg9[%add3A_11, %dma_wait3A_90] : memref<10240x128xf32, #tpu.memory_space<vmem_shared>> -> memref<128x128xf32, #tpu.memory_space<vmem_shared>>
      %dma_wait3A_92 = arith.constant 0 : i32
      %dma_wait3A_93 = tpu.memref_slice %arg9[%add3A_11, %dma_wait3A_92] : memref<10240x128xf32, #tpu.memory_space<vmem_shared>> -> memref<128x128xf32, #tpu.memory_space<vmem_shared>>
      tpu.wait_dma2 semaphore(%run_scoped3A : memref<!tpu.dma_semaphore, #tpu.memory_space<semaphore_mem>>) src(%arg8 : memref<128x128xf32, #tpu.memory_space<vmem>>) dst(%dma_wait3A_93 : memref<128x128xf32, #tpu.memory_space<vmem_shared>>)
      tpu.yield
    }) : () -> ()
    %mul3A_12 = arith.constant 640 : i32
    %mul3A_13 = arith.muli %arg1, %mul3A_12 : i32
    %add3A_14 = arith.constant 128 : i32
    %add3A_15 = arith.addi %mul3A_13, %add3A_14 : i32
    "tpu.region"() ({
      %run_scoped3A = tpu.sem_alloc : memref<!tpu.dma_semaphore, #tpu.memory_space<semaphore_mem>>
      %dma_start3A_86 = arith.constant 0 : i32
      %dma_start3A_87 = tpu.memref_slice %arg9[%add3A_15, %dma_start3A_86] : memref<10240x128xf32, #tpu.memory_space<vmem_shared>> -> memref<128x128xf32, #tpu.memory_space<vmem_shared>>
      %dma_start3A_88 = arith.constant 0 : i32
      %dma_start3A_89 = tpu.memref_slice %arg9[%add3A_15, %dma_start3A_88] : memref<10240x128xf32, #tpu.memory_space<vmem_shared>> -> memref<128x128xf32, #tpu.memory_space<vmem_shared>>
      tpu.enqueue_dma source(%arg8 : memref<128x128xf32, #tpu.memory_space<vmem>>) target(%dma_start3A_89 : memref<128x128xf32, #tpu.memory_space<vmem_shared>>) target_semaphore(%run_scoped3A : memref<!tpu.dma_semaphore, #tpu.memory_space<semaphore_mem>>)
      %dma_wait3A_90 = arith.constant 0 : i32
      %dma_wait3A_91 = tpu.memref_slice %arg9[%add3A_15, %dma_wait3A_90] : memref<10240x128xf32, #tpu.memory_space<vmem_shared>> -> memref<128x128xf32, #tpu.memory_space<vmem_shared>>
      %dma_wait3A_92 = arith.constant 0 : i32
      %dma_wait3A_93 = tpu.memref_slice %arg9[%add3A_15, %dma_wait3A_92] : memref<10240x128xf32, #tpu.memory_space<vmem_shared>> -> memref<128x128xf32, #tpu.memory_space<vmem_shared>>
      tpu.wait_dma2 semaphore(%run_scoped3A : memref<!tpu.dma_semaphore, #tpu.memory_space<semaphore_mem>>) src(%arg8 : memref<128x128xf32, #tpu.memory_space<vmem>>) dst(%dma_wait3A_93 : memref<128x128xf32, #tpu.memory_space<vmem_shared>>)
      tpu.yield
    }) : () -> ()
    %mul3A_16 = arith.constant 640 : i32
    %mul3A_17 = arith.muli %arg1, %mul3A_16 : i32
    %add3A_18 = arith.constant 256 : i32
    %add3A_19 = arith.addi %mul3A_17, %add3A_18 : i32
    "tpu.region"() ({
      %run_scoped3A = tpu.sem_alloc : memref<!tpu.dma_semaphore, #tpu.memory_space<semaphore_mem>>
      %dma_start3A_86 = arith.constant 0 : i32
      %dma_start3A_87 = tpu.memref_slice %arg9[%add3A_19, %dma_start3A_86] : memref<10240x128xf32, #tpu.memory_space<vmem_shared>> -> memref<128x128xf32, #tpu.memory_space<vmem_shared>>
      %dma_start3A_88 = arith.constant 0 : i32
      %dma_start3A_89 = tpu.memref_slice %arg9[%add3A_19, %dma_start3A_88] : memref<10240x128xf32, #tpu.memory_space<vmem_shared>> -> memref<128x128xf32, #tpu.memory_space<vmem_shared>>
      tpu.enqueue_dma source(%arg8 : memref<128x128xf32, #tpu.memory_space<vmem>>) target(%dma_start3A_89 : memref<128x128xf32, #tpu.memory_space<vmem_shared>>) target_semaphore(%run_scoped3A : memref<!tpu.dma_semaphore, #tpu.memory_space<semaphore_mem>>)
      %dma_wait3A_90 = arith.constant 0 : i32
      %dma_wait3A_91 = tpu.memref_slice %arg9[%add3A_19, %dma_wait3A_90] : memref<10240x128xf32, #tpu.memory_space<vmem_shared>> -> memref<128x128xf32, #tpu.memory_space<vmem_shared>>
      %dma_wait3A_92 = arith.constant 0 : i32
      %dma_wait3A_93 = tpu.memref_slice %arg9[%add3A_19, %dma_wait3A_92] : memref<10240x128xf32, #tpu.memory_space<vmem_shared>> -> memref<128x128xf32, #tpu.memory_space<vmem_shared>>
      tpu.wait_dma2 semaphore(%run_scoped3A : memref<!tpu.dma_semaphore, #tpu.memory_space<semaphore_mem>>) src(%arg8 : memref<128x128xf32, #tpu.memory_space<vmem>>) dst(%dma_wait3A_93 : memref<128x128xf32, #tpu.memory_space<vmem_shared>>)
      tpu.yield
    }) : () -> ()
    %mul3A_20 = arith.constant 640 : i32
    %mul3A_21 = arith.muli %arg1, %mul3A_20 : i32
    %add3A_22 = arith.constant 384 : i32
    %add3A_23 = arith.addi %mul3A_21, %add3A_22 : i32
    "tpu.region"() ({
      %run_scoped3A = tpu.sem_alloc : memref<!tpu.dma_semaphore, #tpu.memory_space<semaphore_mem>>
      %dma_start3A_86 = arith.constant 0 : i32
      %dma_start3A_87 = tpu.memref_slice %arg9[%add3A_23, %dma_start3A_86] : memref<10240x128xf32, #tpu.memory_space<vmem_shared>> -> memref<128x128xf32, #tpu.memory_space<vmem_shared>>
      %dma_start3A_88 = arith.constant 0 : i32
      %dma_start3A_89 = tpu.memref_slice %arg9[%add3A_23, %dma_start3A_88] : memref<10240x128xf32, #tpu.memory_space<vmem_shared>> -> memref<128x128xf32, #tpu.memory_space<vmem_shared>>
      tpu.enqueue_dma source(%arg8 : memref<128x128xf32, #tpu.memory_space<vmem>>) target(%dma_start3A_89 : memref<128x128xf32, #tpu.memory_space<vmem_shared>>) target_semaphore(%run_scoped3A : memref<!tpu.dma_semaphore, #tpu.memory_space<semaphore_mem>>)
      %dma_wait3A_90 = arith.constant 0 : i32
      %dma_wait3A_91 = tpu.memref_slice %arg9[%add3A_23, %dma_wait3A_90] : memref<10240x128xf32, #tpu.memory_space<vmem_shared>> -> memref<128x128xf32, #tpu.memory_space<vmem_shared>>
      %dma_wait3A_92 = arith.constant 0 : i32
      %dma_wait3A_93 = tpu.memref_slice %arg9[%add3A_23, %dma_wait3A_92] : memref<10240x128xf32, #tpu.memory_space<vmem_shared>> -> memref<128x128xf32, #tpu.memory_space<vmem_shared>>
      tpu.wait_dma2 semaphore(%run_scoped3A : memref<!tpu.dma_semaphore, #tpu.memory_space<semaphore_mem>>) src(%arg8 : memref<128x128xf32, #tpu.memory_space<vmem>>) dst(%dma_wait3A_93 : memref<128x128xf32, #tpu.memory_space<vmem_shared>>)
      tpu.yield
    }) : () -> ()
    %mul3A_24 = arith.constant 640 : i32
    %mul3A_25 = arith.muli %arg1, %mul3A_24 : i32
    %add3A_26 = arith.constant 512 : i32
    %add3A_27 = arith.addi %mul3A_25, %add3A_26 : i32
    "tpu.region"() ({
      %run_scoped3A = tpu.sem_alloc : memref<!tpu.dma_semaphore, #tpu.memory_space<semaphore_mem>>
      %dma_start3A_86 = arith.constant 0 : i32
      %dma_start3A_87 = tpu.memref_slice %arg9[%add3A_27, %dma_start3A_86] : memref<10240x128xf32, #tpu.memory_space<vmem_shared>> -> memref<128x128xf32, #tpu.memory_space<vmem_shared>>
      %dma_start3A_88 = arith.constant 0 : i32
      %dma_start3A_89 = tpu.memref_slice %arg9[%add3A_27, %dma_start3A_88] : memref<10240x128xf32, #tpu.memory_space<vmem_shared>> -> memref<128x128xf32, #tpu.memory_space<vmem_shared>>
      tpu.enqueue_dma source(%arg8 : memref<128x128xf32, #tpu.memory_space<vmem>>) target(%dma_start3A_89 : memref<128x128xf32, #tpu.memory_space<vmem_shared>>) target_semaphore(%run_scoped3A : memref<!tpu.dma_semaphore, #tpu.memory_space<semaphore_mem>>)
      %dma_wait3A_90 = arith.constant 0 : i32
      %dma_wait3A_91 = tpu.memref_slice %arg9[%add3A_27, %dma_wait3A_90] : memref<10240x128xf32, #tpu.memory_space<vmem_shared>> -> memref<128x128xf32, #tpu.memory_space<vmem_shared>>
      %dma_wait3A_92 = arith.constant 0 : i32
      %dma_wait3A_93 = tpu.memref_slice %arg9[%add3A_27, %dma_wait3A_92] : memref<10240x128xf32, #tpu.memory_space<vmem_shared>> -> memref<128x128xf32, #tpu.memory_space<vmem_shared>>
      tpu.wait_dma2 semaphore(%run_scoped3A : memref<!tpu.dma_semaphore, #tpu.memory_space<semaphore_mem>>) src(%arg8 : memref<128x128xf32, #tpu.memory_space<vmem>>) dst(%dma_wait3A_93 : memref<128x128xf32, #tpu.memory_space<vmem_shared>>)
      tpu.yield
    }) : () -> ()
    %barrier3A = arith.constant 0 : index
    tpu.barrier barrier_id(%barrier3A)
    %dma_start3A = arith.constant 0 : i32
    %dma_start3A_28 = arith.constant 0 : i32
    %dma_start3A_29 = tpu.memref_slice %arg3[%add3A, %dma_start3A, %dma_start3A_28] : memref<32x79x128xi32, #tpu.memory_space<hbm>> -> memref<1x79x128xi32, #tpu.memory_space<hbm>>
    %dma_start3A_30 = tpu.memref_squeeze %dma_start3A_29 : memref<1x79x128xi32, #tpu.memory_space<hbm>> -> memref<79x128xi32, #tpu.memory_space<hbm>>
    %dma_start3A_31 = arith.constant 0 : i32
    %dma_start3A_32 = arith.constant 0 : i32
    %dma_start3A_33 = tpu.memref_slice %arg3[%add3A, %dma_start3A_31, %dma_start3A_32] : memref<32x79x128xi32, #tpu.memory_space<hbm>> -> memref<1x79x128xi32, #tpu.memory_space<hbm>>
    %dma_start3A_34 = tpu.memref_squeeze %dma_start3A_33 : memref<1x79x128xi32, #tpu.memory_space<hbm>> -> memref<79x128xi32, #tpu.memory_space<hbm>>
    tpu.enqueue_dma source(%dma_start3A_34 : memref<79x128xi32, #tpu.memory_space<hbm>>) target(%arg6 : memref<79x128xi32, #tpu.memory_space<vmem>>) target_semaphore(%arg10 : memref<!tpu.dma_semaphore, #tpu.memory_space<semaphore_mem>>)
    %dma_wait3A = arith.constant 0 : i32
    %dma_wait3A_35 = arith.constant 0 : i32
    %dma_wait3A_36 = tpu.memref_slice %arg3[%add3A, %dma_wait3A, %dma_wait3A_35] : memref<32x79x128xi32, #tpu.memory_space<hbm>> -> memref<1x79x128xi32, #tpu.memory_space<hbm>>
    %dma_wait3A_37 = tpu.memref_squeeze %dma_wait3A_36 : memref<1x79x128xi32, #tpu.memory_space<hbm>> -> memref<79x128xi32, #tpu.memory_space<hbm>>
    %dma_wait3A_38 = arith.constant 0 : i32
    %dma_wait3A_39 = arith.constant 0 : i32
    %dma_wait3A_40 = tpu.memref_slice %arg3[%add3A, %dma_wait3A_38, %dma_wait3A_39] : memref<32x79x128xi32, #tpu.memory_space<hbm>> -> memref<1x79x128xi32, #tpu.memory_space<hbm>>
    %dma_wait3A_41 = tpu.memref_squeeze %dma_wait3A_40 : memref<1x79x128xi32, #tpu.memory_space<hbm>> -> memref<79x128xi32, #tpu.memory_space<hbm>>
    tpu.wait_dma2 semaphore(%arg10 : memref<!tpu.dma_semaphore, #tpu.memory_space<semaphore_mem>>) src(%dma_wait3A_41 : memref<79x128xi32, #tpu.memory_space<hbm>>) dst(%arg6 : memref<79x128xi32, #tpu.memory_space<vmem>>)
    %dma_start3A_42 = arith.constant 0 : i32
    %dma_start3A_43 = arith.constant 0 : i32
    %dma_start3A_44 = tpu.memref_slice %arg4[%add3A, %dma_start3A_42, %dma_start3A_43] : memref<32x79x128xi32, #tpu.memory_space<hbm>> -> memref<1x79x128xi32, #tpu.memory_space<hbm>>
    %dma_start3A_45 = tpu.memref_squeeze %dma_start3A_44 : memref<1x79x128xi32, #tpu.memory_space<hbm>> -> memref<79x128xi32, #tpu.memory_space<hbm>>
    %dma_start3A_46 = arith.constant 0 : i32
    %dma_start3A_47 = arith.constant 0 : i32
    %dma_start3A_48 = tpu.memref_slice %arg4[%add3A, %dma_start3A_46, %dma_start3A_47] : memref<32x79x128xi32, #tpu.memory_space<hbm>> -> memref<1x79x128xi32, #tpu.memory_space<hbm>>
    %dma_start3A_49 = tpu.memref_squeeze %dma_start3A_48 : memref<1x79x128xi32, #tpu.memory_space<hbm>> -> memref<79x128xi32, #tpu.memory_space<hbm>>
    tpu.enqueue_dma source(%dma_start3A_49 : memref<79x128xi32, #tpu.memory_space<hbm>>) target(%arg7 : memref<79x128xi32, #tpu.memory_space<vmem>>) target_semaphore(%arg10 : memref<!tpu.dma_semaphore, #tpu.memory_space<semaphore_mem>>)
    %dma_wait3A_50 = arith.constant 0 : i32
    %dma_wait3A_51 = arith.constant 0 : i32
    %dma_wait3A_52 = tpu.memref_slice %arg4[%add3A, %dma_wait3A_50, %dma_wait3A_51] : memref<32x79x128xi32, #tpu.memory_space<hbm>> -> memref<1x79x128xi32, #tpu.memory_space<hbm>>
    %dma_wait3A_53 = tpu.memref_squeeze %dma_wait3A_52 : memref<1x79x128xi32, #tpu.memory_space<hbm>> -> memref<79x128xi32, #tpu.memory_space<hbm>>
    %dma_wait3A_54 = arith.constant 0 : i32
    %dma_wait3A_55 = arith.constant 0 : i32
    %dma_wait3A_56 = tpu.memref_slice %arg4[%add3A, %dma_wait3A_54, %dma_wait3A_55] : memref<32x79x128xi32, #tpu.memory_space<hbm>> -> memref<1x79x128xi32, #tpu.memory_space<hbm>>
    %dma_wait3A_57 = tpu.memref_squeeze %dma_wait3A_56 : memref<1x79x128xi32, #tpu.memory_space<hbm>> -> memref<79x128xi32, #tpu.memory_space<hbm>>
    tpu.wait_dma2 semaphore(%arg10 : memref<!tpu.dma_semaphore, #tpu.memory_space<semaphore_mem>>) src(%dma_wait3A_57 : memref<79x128xi32, #tpu.memory_space<hbm>>) dst(%arg7 : memref<79x128xi32, #tpu.memory_space<vmem>>)
    %scan3A_58 = arith.constant 0 : i32
    %scan3A_59 = arith.constant 0 : i32
    %scan3A_60 = arith.constant 79 : i32
    %scan3A_61 = arith.addi %scan3A_59, %scan3A_60 : i32
    %scan3A_62 = arith.constant 1 : i32
    %scan3A_63 = scf.for %scan3A_86 = %scan3A_59 to %scan3A_61 step %scan3A_62 iter_args(%scan3A_87 = %scan3A_58) -> (i32)  : i32 {
      %dma_start3A_88 = arith.constant 0 : i32
      %dma_start3A_89 = tpu.memref_slice %arg6[%scan3A_86, %dma_start3A_88] : memref<79x128xi32, #tpu.memory_space<vmem>> -> memref<1x128xi32, #tpu.memory_space<vmem>>
      %dma_start3A_90 = tpu.memref_squeeze %dma_start3A_89 : memref<1x128xi32, #tpu.memory_space<vmem>> -> memref<128xi32, #tpu.memory_space<vmem>>
      %dma_start3A_91 = arith.constant 0 : i32
      %dma_start3A_92 = arith.constant 0 : i32
      %dma_start3A_93 = tpu.memref_slice %arg2[%dma_start3A_91, %dma_start3A_92] : memref<10000x128xf32, #tpu.memory_space<hbm>> -> memref<10000x128xf32, #tpu.memory_space<hbm>>
      tpu.enqueue_indirect_dma source(%dma_start3A_93 : memref<10000x128xf32, #tpu.memory_space<hbm>>) target(%arg8 : memref<128x128xf32, #tpu.memory_space<vmem>>) offsets(%dma_start3A_90 : memref<128xi32, #tpu.memory_space<vmem>>) semaphore(%arg10 : memref<!tpu.dma_semaphore, #tpu.memory_space<semaphore_mem>>)
      %dma_wait3A_94 = arith.constant 0 : i32
      %dma_wait3A_95 = tpu.memref_slice %arg6[%scan3A_86, %dma_wait3A_94] : memref<79x128xi32, #tpu.memory_space<vmem>> -> memref<1x128xi32, #tpu.memory_space<vmem>>
      %dma_wait3A_96 = tpu.memref_squeeze %dma_wait3A_95 : memref<1x128xi32, #tpu.memory_space<vmem>> -> memref<128xi32, #tpu.memory_space<vmem>>
      %dma_wait3A_97 = arith.constant 0 : i32
      %dma_wait3A_98 = arith.constant 0 : i32
      %dma_wait3A_99 = tpu.memref_slice %arg2[%dma_wait3A_97, %dma_wait3A_98] : memref<10000x128xf32, #tpu.memory_space<hbm>> -> memref<10000x128xf32, #tpu.memory_space<hbm>>
      tpu.wait_indirect_dma semaphore(%arg10 : memref<!tpu.dma_semaphore, #tpu.memory_space<semaphore_mem>>) src(%dma_wait3A_99 : memref<10000x128xf32, #tpu.memory_space<hbm>>) dst(%arg8 : memref<128x128xf32, #tpu.memory_space<vmem>>)
      "tpu.region"() ({
        %run_scoped3A = tpu.sem_alloc : memref<!tpu.dma_semaphore, #tpu.memory_space<semaphore_mem>>
        %dma_start3A_101 = arith.constant 0 : i32
        %dma_start3A_102 = tpu.memref_slice %arg7[%scan3A_86, %dma_start3A_101] : memref<79x128xi32, #tpu.memory_space<vmem>> -> memref<1x128xi32, #tpu.memory_space<vmem>>
        %dma_start3A_103 = tpu.memref_squeeze %dma_start3A_102 : memref<1x128xi32, #tpu.memory_space<vmem>> -> memref<128xi32, #tpu.memory_space<vmem>>
        %dma_start3A_104 = arith.constant 0 : i32
        %dma_start3A_105 = arith.constant 0 : i32
        %dma_start3A_106 = tpu.memref_slice %arg9[%dma_start3A_104, %dma_start3A_105] : memref<10240x128xf32, #tpu.memory_space<vmem_shared>> -> memref<10240x128xf32, #tpu.memory_space<vmem_shared>>
        tpu.enqueue_indirect_dma source(%arg8 : memref<128x128xf32, #tpu.memory_space<vmem>>) target(%dma_start3A_106 : memref<10240x128xf32, #tpu.memory_space<vmem_shared>>) offsets(%dma_start3A_103 : memref<128xi32, #tpu.memory_space<vmem>>) semaphore(%run_scoped3A : memref<!tpu.dma_semaphore, #tpu.memory_space<semaphore_mem>>) {add = true}
        %dma_wait3A_107 = arith.constant 0 : i32
        %dma_wait3A_108 = tpu.memref_slice %arg7[%scan3A_86, %dma_wait3A_107] : memref<79x128xi32, #tpu.memory_space<vmem>> -> memref<1x128xi32, #tpu.memory_space<vmem>>
        %dma_wait3A_109 = tpu.memref_squeeze %dma_wait3A_108 : memref<1x128xi32, #tpu.memory_space<vmem>> -> memref<128xi32, #tpu.memory_space<vmem>>
        %dma_wait3A_110 = arith.constant 0 : i32
        %dma_wait3A_111 = arith.constant 0 : i32
        %dma_wait3A_112 = tpu.memref_slice %arg9[%dma_wait3A_110, %dma_wait3A_111] : memref<10240x128xf32, #tpu.memory_space<vmem_shared>> -> memref<10240x128xf32, #tpu.memory_space<vmem_shared>>
        tpu.wait_indirect_dma semaphore(%run_scoped3A : memref<!tpu.dma_semaphore, #tpu.memory_space<semaphore_mem>>) src(%arg8 : memref<128x128xf32, #tpu.memory_space<vmem>>) dst(%dma_wait3A_112 : memref<10240x128xf32, #tpu.memory_space<vmem_shared>>)
        tpu.yield
      }) : () -> ()
      %scan3A_100 = arith.constant 0 : i32
      scf.yield %scan3A_100 : i32
    }
    %scan3A_64 = arith.constant 79 : i32
    %barrier3A_65 = arith.constant 0 : index
    tpu.barrier barrier_id(%barrier3A_65)
    %mul3A_66 = arith.constant 640 : i32
    %mul3A_67 = arith.muli %arg1, %mul3A_66 : i32
    %add3A_68 = arith.constant 0 : i32
    %add3A_69 = arith.addi %mul3A_67, %add3A_68 : i32
    "tpu.region"() ({
      %run_scoped3A = tpu.sem_alloc : memref<!tpu.dma_semaphore, #tpu.memory_space<semaphore_mem>>
      %dma_start3A_86 = arith.constant 0 : i32
      %dma_start3A_87 = tpu.memref_slice %arg9[%add3A_69, %dma_start3A_86] : memref<10240x128xf32, #tpu.memory_space<vmem_shared>> -> memref<128x128xf32, #tpu.memory_space<vmem_shared>>
      %dma_start3A_88 = arith.constant 0 : i32
      %dma_start3A_89 = tpu.memref_slice %arg9[%add3A_69, %dma_start3A_88] : memref<10240x128xf32, #tpu.memory_space<vmem_shared>> -> memref<128x128xf32, #tpu.memory_space<vmem_shared>>
      tpu.enqueue_dma source(%dma_start3A_89 : memref<128x128xf32, #tpu.memory_space<vmem_shared>>) target(%arg8 : memref<128x128xf32, #tpu.memory_space<vmem>>) target_semaphore(%run_scoped3A : memref<!tpu.dma_semaphore, #tpu.memory_space<semaphore_mem>>)
      %dma_wait3A_90 = arith.constant 0 : i32
      %dma_wait3A_91 = tpu.memref_slice %arg9[%add3A_69, %dma_wait3A_90] : memref<10240x128xf32, #tpu.memory_space<vmem_shared>> -> memref<128x128xf32, #tpu.memory_space<vmem_shared>>
      %dma_wait3A_92 = arith.constant 0 : i32
      %dma_wait3A_93 = tpu.memref_slice %arg9[%add3A_69, %dma_wait3A_92] : memref<10240x128xf32, #tpu.memory_space<vmem_shared>> -> memref<128x128xf32, #tpu.memory_space<vmem_shared>>
      tpu.wait_dma2 semaphore(%run_scoped3A : memref<!tpu.dma_semaphore, #tpu.memory_space<semaphore_mem>>) src(%dma_wait3A_93 : memref<128x128xf32, #tpu.memory_space<vmem_shared>>) dst(%arg8 : memref<128x128xf32, #tpu.memory_space<vmem>>)
      tpu.yield
    }) : () -> ()
    "tpu.region"() ({
      %run_scoped3A = tpu.sem_alloc : memref<!tpu.dma_semaphore, #tpu.memory_space<semaphore_mem>>
      %dma_start3A_86 = arith.constant 0 : i32
      %dma_start3A_87 = tpu.memref_slice %arg5[%arg0, %add3A_69, %dma_start3A_86] : memref<2x10240x128xf32, #tpu.memory_space<hbm>> -> memref<1x128x128xf32, #tpu.memory_space<hbm>>
      %dma_start3A_88 = tpu.memref_squeeze %dma_start3A_87 : memref<1x128x128xf32, #tpu.memory_space<hbm>> -> memref<128x128xf32, #tpu.memory_space<hbm>>
      %dma_start3A_89 = arith.constant 0 : i32
      %dma_start3A_90 = tpu.memref_slice %arg5[%arg0, %add3A_69, %dma_start3A_89] : memref<2x10240x128xf32, #tpu.memory_space<hbm>> -> memref<1x128x128xf32, #tpu.memory_space<hbm>>
      %dma_start3A_91 = tpu.memref_squeeze %dma_start3A_90 : memref<1x128x128xf32, #tpu.memory_space<hbm>> -> memref<128x128xf32, #tpu.memory_space<hbm>>
      tpu.enqueue_dma source(%arg8 : memref<128x128xf32, #tpu.memory_space<vmem>>) target(%dma_start3A_91 : memref<128x128xf32, #tpu.memory_space<hbm>>) target_semaphore(%run_scoped3A : memref<!tpu.dma_semaphore, #tpu.memory_space<semaphore_mem>>)
      %dma_wait3A_92 = arith.constant 0 : i32
      %dma_wait3A_93 = tpu.memref_slice %arg5[%arg0, %add3A_69, %dma_wait3A_92] : memref<2x10240x128xf32, #tpu.memory_space<hbm>> -> memref<1x128x128xf32, #tpu.memory_space<hbm>>
      %dma_wait3A_94 = tpu.memref_squeeze %dma_wait3A_93 : memref<1x128x128xf32, #tpu.memory_space<hbm>> -> memref<128x128xf32, #tpu.memory_space<hbm>>
      %dma_wait3A_95 = arith.constant 0 : i32
      %dma_wait3A_96 = tpu.memref_slice %arg5[%arg0, %add3A_69, %dma_wait3A_95] : memref<2x10240x128xf32, #tpu.memory_space<hbm>> -> memref<1x128x128xf32, #tpu.memory_space<hbm>>
      %dma_wait3A_97 = tpu.memref_squeeze %dma_wait3A_96 : memref<1x128x128xf32, #tpu.memory_space<hbm>> -> memref<128x128xf32, #tpu.memory_space<hbm>>
      tpu.wait_dma2 semaphore(%run_scoped3A : memref<!tpu.dma_semaphore, #tpu.memory_space<semaphore_mem>>) src(%arg8 : memref<128x128xf32, #tpu.memory_space<vmem>>) dst(%dma_wait3A_97 : memref<128x128xf32, #tpu.memory_space<hbm>>)
      tpu.yield
    }) : () -> ()
    %mul3A_70 = arith.constant 640 : i32
    %mul3A_71 = arith.muli %arg1, %mul3A_70 : i32
    %add3A_72 = arith.constant 128 : i32
    %add3A_73 = arith.addi %mul3A_71, %add3A_72 : i32
    "tpu.region"() ({
      %run_scoped3A = tpu.sem_alloc : memref<!tpu.dma_semaphore, #tpu.memory_space<semaphore_mem>>
      %dma_start3A_86 = arith.constant 0 : i32
      %dma_start3A_87 = tpu.memref_slice %arg9[%add3A_73, %dma_start3A_86] : memref<10240x128xf32, #tpu.memory_space<vmem_shared>> -> memref<128x128xf32, #tpu.memory_space<vmem_shared>>
      %dma_start3A_88 = arith.constant 0 : i32
      %dma_start3A_89 = tpu.memref_slice %arg9[%add3A_73, %dma_start3A_88] : memref<10240x128xf32, #tpu.memory_space<vmem_shared>> -> memref<128x128xf32, #tpu.memory_space<vmem_shared>>
      tpu.enqueue_dma source(%dma_start3A_89 : memref<128x128xf32, #tpu.memory_space<vmem_shared>>) target(%arg8 : memref<128x128xf32, #tpu.memory_space<vmem>>) target_semaphore(%run_scoped3A : memref<!tpu.dma_semaphore, #tpu.memory_space<semaphore_mem>>)
      %dma_wait3A_90 = arith.constant 0 : i32
      %dma_wait3A_91 = tpu.memref_slice %arg9[%add3A_73, %dma_wait3A_90] : memref<10240x128xf32, #tpu.memory_space<vmem_shared>> -> memref<128x128xf32, #tpu.memory_space<vmem_shared>>
      %dma_wait3A_92 = arith.constant 0 : i32
      %dma_wait3A_93 = tpu.memref_slice %arg9[%add3A_73, %dma_wait3A_92] : memref<10240x128xf32, #tpu.memory_space<vmem_shared>> -> memref<128x128xf32, #tpu.memory_space<vmem_shared>>
      tpu.wait_dma2 semaphore(%run_scoped3A : memref<!tpu.dma_semaphore, #tpu.memory_space<semaphore_mem>>) src(%dma_wait3A_93 : memref<128x128xf32, #tpu.memory_space<vmem_shared>>) dst(%arg8 : memref<128x128xf32, #tpu.memory_space<vmem>>)
      tpu.yield
    }) : () -> ()
    "tpu.region"() ({
      %run_scoped3A = tpu.sem_alloc : memref<!tpu.dma_semaphore, #tpu.memory_space<semaphore_mem>>
      %dma_start3A_86 = arith.constant 0 : i32
      %dma_start3A_87 = tpu.memref_slice %arg5[%arg0, %add3A_73, %dma_start3A_86] : memref<2x10240x128xf32, #tpu.memory_space<hbm>> -> memref<1x128x128xf32, #tpu.memory_space<hbm>>
      %dma_start3A_88 = tpu.memref_squeeze %dma_start3A_87 : memref<1x128x128xf32, #tpu.memory_space<hbm>> -> memref<128x128xf32, #tpu.memory_space<hbm>>
      %dma_start3A_89 = arith.constant 0 : i32
      %dma_start3A_90 = tpu.memref_slice %arg5[%arg0, %add3A_73, %dma_start3A_89] : memref<2x10240x128xf32, #tpu.memory_space<hbm>> -> memref<1x128x128xf32, #tpu.memory_space<hbm>>
      %dma_start3A_91 = tpu.memref_squeeze %dma_start3A_90 : memref<1x128x128xf32, #tpu.memory_space<hbm>> -> memref<128x128xf32, #tpu.memory_space<hbm>>
      tpu.enqueue_dma source(%arg8 : memref<128x128xf32, #tpu.memory_space<vmem>>) target(%dma_start3A_91 : memref<128x128xf32, #tpu.memory_space<hbm>>) target_semaphore(%run_scoped3A : memref<!tpu.dma_semaphore, #tpu.memory_space<semaphore_mem>>)
      %dma_wait3A_92 = arith.constant 0 : i32
      %dma_wait3A_93 = tpu.memref_slice %arg5[%arg0, %add3A_73, %dma_wait3A_92] : memref<2x10240x128xf32, #tpu.memory_space<hbm>> -> memref<1x128x128xf32, #tpu.memory_space<hbm>>
      %dma_wait3A_94 = tpu.memref_squeeze %dma_wait3A_93 : memref<1x128x128xf32, #tpu.memory_space<hbm>> -> memref<128x128xf32, #tpu.memory_space<hbm>>
      %dma_wait3A_95 = arith.constant 0 : i32
      %dma_wait3A_96 = tpu.memref_slice %arg5[%arg0, %add3A_73, %dma_wait3A_95] : memref<2x10240x128xf32, #tpu.memory_space<hbm>> -> memref<1x128x128xf32, #tpu.memory_space<hbm>>
      %dma_wait3A_97 = tpu.memref_squeeze %dma_wait3A_96 : memref<1x128x128xf32, #tpu.memory_space<hbm>> -> memref<128x128xf32, #tpu.memory_space<hbm>>
      tpu.wait_dma2 semaphore(%run_scoped3A : memref<!tpu.dma_semaphore, #tpu.memory_space<semaphore_mem>>) src(%arg8 : memref<128x128xf32, #tpu.memory_space<vmem>>) dst(%dma_wait3A_97 : memref<128x128xf32, #tpu.memory_space<hbm>>)
      tpu.yield
    }) : () -> ()
    %mul3A_74 = arith.constant 640 : i32
    %mul3A_75 = arith.muli %arg1, %mul3A_74 : i32
    %add3A_76 = arith.constant 256 : i32
    %add3A_77 = arith.addi %mul3A_75, %add3A_76 : i32
    "tpu.region"() ({
      %run_scoped3A = tpu.sem_alloc : memref<!tpu.dma_semaphore, #tpu.memory_space<semaphore_mem>>
      %dma_start3A_86 = arith.constant 0 : i32
      %dma_start3A_87 = tpu.memref_slice %arg9[%add3A_77, %dma_start3A_86] : memref<10240x128xf32, #tpu.memory_space<vmem_shared>> -> memref<128x128xf32, #tpu.memory_space<vmem_shared>>
      %dma_start3A_88 = arith.constant 0 : i32
      %dma_start3A_89 = tpu.memref_slice %arg9[%add3A_77, %dma_start3A_88] : memref<10240x128xf32, #tpu.memory_space<vmem_shared>> -> memref<128x128xf32, #tpu.memory_space<vmem_shared>>
      tpu.enqueue_dma source(%dma_start3A_89 : memref<128x128xf32, #tpu.memory_space<vmem_shared>>) target(%arg8 : memref<128x128xf32, #tpu.memory_space<vmem>>) target_semaphore(%run_scoped3A : memref<!tpu.dma_semaphore, #tpu.memory_space<semaphore_mem>>)
      %dma_wait3A_90 = arith.constant 0 : i32
      %dma_wait3A_91 = tpu.memref_slice %arg9[%add3A_77, %dma_wait3A_90] : memref<10240x128xf32, #tpu.memory_space<vmem_shared>> -> memref<128x128xf32, #tpu.memory_space<vmem_shared>>
      %dma_wait3A_92 = arith.constant 0 : i32
      %dma_wait3A_93 = tpu.memref_slice %arg9[%add3A_77, %dma_wait3A_92] : memref<10240x128xf32, #tpu.memory_space<vmem_shared>> -> memref<128x128xf32, #tpu.memory_space<vmem_shared>>
      tpu.wait_dma2 semaphore(%run_scoped3A : memref<!tpu.dma_semaphore, #tpu.memory_space<semaphore_mem>>) src(%dma_wait3A_93 : memref<128x128xf32, #tpu.memory_space<vmem_shared>>) dst(%arg8 : memref<128x128xf32, #tpu.memory_space<vmem>>)
      tpu.yield
    }) : () -> ()
    "tpu.region"() ({
      %run_scoped3A = tpu.sem_alloc : memref<!tpu.dma_semaphore, #tpu.memory_space<semaphore_mem>>
      %dma_start3A_86 = arith.constant 0 : i32
      %dma_start3A_87 = tpu.memref_slice %arg5[%arg0, %add3A_77, %dma_start3A_86] : memref<2x10240x128xf32, #tpu.memory_space<hbm>> -> memref<1x128x128xf32, #tpu.memory_space<hbm>>
      %dma_start3A_88 = tpu.memref_squeeze %dma_start3A_87 : memref<1x128x128xf32, #tpu.memory_space<hbm>> -> memref<128x128xf32, #tpu.memory_space<hbm>>
      %dma_start3A_89 = arith.constant 0 : i32
      %dma_start3A_90 = tpu.memref_slice %arg5[%arg0, %add3A_77, %dma_start3A_89] : memref<2x10240x128xf32, #tpu.memory_space<hbm>> -> memref<1x128x128xf32, #tpu.memory_space<hbm>>
      %dma_start3A_91 = tpu.memref_squeeze %dma_start3A_90 : memref<1x128x128xf32, #tpu.memory_space<hbm>> -> memref<128x128xf32, #tpu.memory_space<hbm>>
      tpu.enqueue_dma source(%arg8 : memref<128x128xf32, #tpu.memory_space<vmem>>) target(%dma_start3A_91 : memref<128x128xf32, #tpu.memory_space<hbm>>) target_semaphore(%run_scoped3A : memref<!tpu.dma_semaphore, #tpu.memory_space<semaphore_mem>>)
      %dma_wait3A_92 = arith.constant 0 : i32
      %dma_wait3A_93 = tpu.memref_slice %arg5[%arg0, %add3A_77, %dma_wait3A_92] : memref<2x10240x128xf32, #tpu.memory_space<hbm>> -> memref<1x128x128xf32, #tpu.memory_space<hbm>>
      %dma_wait3A_94 = tpu.memref_squeeze %dma_wait3A_93 : memref<1x128x128xf32, #tpu.memory_space<hbm>> -> memref<128x128xf32, #tpu.memory_space<hbm>>
      %dma_wait3A_95 = arith.constant 0 : i32
      %dma_wait3A_96 = tpu.memref_slice %arg5[%arg0, %add3A_77, %dma_wait3A_95] : memref<2x10240x128xf32, #tpu.memory_space<hbm>> -> memref<1x128x128xf32, #tpu.memory_space<hbm>>
      %dma_wait3A_97 = tpu.memref_squeeze %dma_wait3A_96 : memref<1x128x128xf32, #tpu.memory_space<hbm>> -> memref<128x128xf32, #tpu.memory_space<hbm>>
      tpu.wait_dma2 semaphore(%run_scoped3A : memref<!tpu.dma_semaphore, #tpu.memory_space<semaphore_mem>>) src(%arg8 : memref<128x128xf32, #tpu.memory_space<vmem>>) dst(%dma_wait3A_97 : memref<128x128xf32, #tpu.memory_space<hbm>>)
      tpu.yield
    }) : () -> ()
    %mul3A_78 = arith.constant 640 : i32
    %mul3A_79 = arith.muli %arg1, %mul3A_78 : i32
    %add3A_80 = arith.constant 384 : i32
    %add3A_81 = arith.addi %mul3A_79, %add3A_80 : i32
    "tpu.region"() ({
      %run_scoped3A = tpu.sem_alloc : memref<!tpu.dma_semaphore, #tpu.memory_space<semaphore_mem>>
      %dma_start3A_86 = arith.constant 0 : i32
      %dma_start3A_87 = tpu.memref_slice %arg9[%add3A_81, %dma_start3A_86] : memref<10240x128xf32, #tpu.memory_space<vmem_shared>> -> memref<128x128xf32, #tpu.memory_space<vmem_shared>>
      %dma_start3A_88 = arith.constant 0 : i32
      %dma_start3A_89 = tpu.memref_slice %arg9[%add3A_81, %dma_start3A_88] : memref<10240x128xf32, #tpu.memory_space<vmem_shared>> -> memref<128x128xf32, #tpu.memory_space<vmem_shared>>
      tpu.enqueue_dma source(%dma_start3A_89 : memref<128x128xf32, #tpu.memory_space<vmem_shared>>) target(%arg8 : memref<128x128xf32, #tpu.memory_space<vmem>>) target_semaphore(%run_scoped3A : memref<!tpu.dma_semaphore, #tpu.memory_space<semaphore_mem>>)
      %dma_wait3A_90 = arith.constant 0 : i32
      %dma_wait3A_91 = tpu.memref_slice %arg9[%add3A_81, %dma_wait3A_90] : memref<10240x128xf32, #tpu.memory_space<vmem_shared>> -> memref<128x128xf32, #tpu.memory_space<vmem_shared>>
      %dma_wait3A_92 = arith.constant 0 : i32
      %dma_wait3A_93 = tpu.memref_slice %arg9[%add3A_81, %dma_wait3A_92] : memref<10240x128xf32, #tpu.memory_space<vmem_shared>> -> memref<128x128xf32, #tpu.memory_space<vmem_shared>>
      tpu.wait_dma2 semaphore(%run_scoped3A : memref<!tpu.dma_semaphore, #tpu.memory_space<semaphore_mem>>) src(%dma_wait3A_93 : memref<128x128xf32, #tpu.memory_space<vmem_shared>>) dst(%arg8 : memref<128x128xf32, #tpu.memory_space<vmem>>)
      tpu.yield
    }) : () -> ()
    "tpu.region"() ({
      %run_scoped3A = tpu.sem_alloc : memref<!tpu.dma_semaphore, #tpu.memory_space<semaphore_mem>>
      %dma_start3A_86 = arith.constant 0 : i32
      %dma_start3A_87 = tpu.memref_slice %arg5[%arg0, %add3A_81, %dma_start3A_86] : memref<2x10240x128xf32, #tpu.memory_space<hbm>> -> memref<1x128x128xf32, #tpu.memory_space<hbm>>
      %dma_start3A_88 = tpu.memref_squeeze %dma_start3A_87 : memref<1x128x128xf32, #tpu.memory_space<hbm>> -> memref<128x128xf32, #tpu.memory_space<hbm>>
      %dma_start3A_89 = arith.constant 0 : i32
      %dma_start3A_90 = tpu.memref_slice %arg5[%arg0, %add3A_81, %dma_start3A_89] : memref<2x10240x128xf32, #tpu.memory_space<hbm>> -> memref<1x128x128xf32, #tpu.memory_space<hbm>>
      %dma_start3A_91 = tpu.memref_squeeze %dma_start3A_90 : memref<1x128x128xf32, #tpu.memory_space<hbm>> -> memref<128x128xf32, #tpu.memory_space<hbm>>
      tpu.enqueue_dma source(%arg8 : memref<128x128xf32, #tpu.memory_space<vmem>>) target(%dma_start3A_91 : memref<128x128xf32, #tpu.memory_space<hbm>>) target_semaphore(%run_scoped3A : memref<!tpu.dma_semaphore, #tpu.memory_space<semaphore_mem>>)
      %dma_wait3A_92 = arith.constant 0 : i32
      %dma_wait3A_93 = tpu.memref_slice %arg5[%arg0, %add3A_81, %dma_wait3A_92] : memref<2x10240x128xf32, #tpu.memory_space<hbm>> -> memref<1x128x128xf32, #tpu.memory_space<hbm>>
      %dma_wait3A_94 = tpu.memref_squeeze %dma_wait3A_93 : memref<1x128x128xf32, #tpu.memory_space<hbm>> -> memref<128x128xf32, #tpu.memory_space<hbm>>
      %dma_wait3A_95 = arith.constant 0 : i32
      %dma_wait3A_96 = tpu.memref_slice %arg5[%arg0, %add3A_81, %dma_wait3A_95] : memref<2x10240x128xf32, #tpu.memory_space<hbm>> -> memref<1x128x128xf32, #tpu.memory_space<hbm>>
      %dma_wait3A_97 = tpu.memref_squeeze %dma_wait3A_96 : memref<1x128x128xf32, #tpu.memory_space<hbm>> -> memref<128x128xf32, #tpu.memory_space<hbm>>
      tpu.wait_dma2 semaphore(%run_scoped3A : memref<!tpu.dma_semaphore, #tpu.memory_space<semaphore_mem>>) src(%arg8 : memref<128x128xf32, #tpu.memory_space<vmem>>) dst(%dma_wait3A_97 : memref<128x128xf32, #tpu.memory_space<hbm>>)
      tpu.yield
    }) : () -> ()
    %mul3A_82 = arith.constant 640 : i32
    %mul3A_83 = arith.muli %arg1, %mul3A_82 : i32
    %add3A_84 = arith.constant 512 : i32
    %add3A_85 = arith.addi %mul3A_83, %add3A_84 : i32
    "tpu.region"() ({
      %run_scoped3A = tpu.sem_alloc : memref<!tpu.dma_semaphore, #tpu.memory_space<semaphore_mem>>
      %dma_start3A_86 = arith.constant 0 : i32
      %dma_start3A_87 = tpu.memref_slice %arg9[%add3A_85, %dma_start3A_86] : memref<10240x128xf32, #tpu.memory_space<vmem_shared>> -> memref<128x128xf32, #tpu.memory_space<vmem_shared>>
      %dma_start3A_88 = arith.constant 0 : i32
      %dma_start3A_89 = tpu.memref_slice %arg9[%add3A_85, %dma_start3A_88] : memref<10240x128xf32, #tpu.memory_space<vmem_shared>> -> memref<128x128xf32, #tpu.memory_space<vmem_shared>>
      tpu.enqueue_dma source(%dma_start3A_89 : memref<128x128xf32, #tpu.memory_space<vmem_shared>>) target(%arg8 : memref<128x128xf32, #tpu.memory_space<vmem>>) target_semaphore(%run_scoped3A : memref<!tpu.dma_semaphore, #tpu.memory_space<semaphore_mem>>)
      %dma_wait3A_90 = arith.constant 0 : i32
      %dma_wait3A_91 = tpu.memref_slice %arg9[%add3A_85, %dma_wait3A_90] : memref<10240x128xf32, #tpu.memory_space<vmem_shared>> -> memref<128x128xf32, #tpu.memory_space<vmem_shared>>
      %dma_wait3A_92 = arith.constant 0 : i32
      %dma_wait3A_93 = tpu.memref_slice %arg9[%add3A_85, %dma_wait3A_92] : memref<10240x128xf32, #tpu.memory_space<vmem_shared>> -> memref<128x128xf32, #tpu.memory_space<vmem_shared>>
      tpu.wait_dma2 semaphore(%run_scoped3A : memref<!tpu.dma_semaphore, #tpu.memory_space<semaphore_mem>>) src(%dma_wait3A_93 : memref<128x128xf32, #tpu.memory_space<vmem_shared>>) dst(%arg8 : memref<128x128xf32, #tpu.memory_space<vmem>>)
      tpu.yield
    }) : () -> ()
    "tpu.region"() ({
      %run_scoped3A = tpu.sem_alloc : memref<!tpu.dma_semaphore, #tpu.memory_space<semaphore_mem>>
      %dma_start3A_86 = arith.constant 0 : i32
      %dma_start3A_87 = tpu.memref_slice %arg5[%arg0, %add3A_85, %dma_start3A_86] : memref<2x10240x128xf32, #tpu.memory_space<hbm>> -> memref<1x128x128xf32, #tpu.memory_space<hbm>>
      %dma_start3A_88 = tpu.memref_squeeze %dma_start3A_87 : memref<1x128x128xf32, #tpu.memory_space<hbm>> -> memref<128x128xf32, #tpu.memory_space<hbm>>
      %dma_start3A_89 = arith.constant 0 : i32
      %dma_start3A_90 = tpu.memref_slice %arg5[%arg0, %add3A_85, %dma_start3A_89] : memref<2x10240x128xf32, #tpu.memory_space<hbm>> -> memref<1x128x128xf32, #tpu.memory_space<hbm>>
      %dma_start3A_91 = tpu.memref_squeeze %dma_start3A_90 : memref<1x128x128xf32, #tpu.memory_space<hbm>> -> memref<128x128xf32, #tpu.memory_space<hbm>>
      tpu.enqueue_dma source(%arg8 : memref<128x128xf32, #tpu.memory_space<vmem>>) target(%dma_start3A_91 : memref<128x128xf32, #tpu.memory_space<hbm>>) target_semaphore(%run_scoped3A : memref<!tpu.dma_semaphore, #tpu.memory_space<semaphore_mem>>)
      %dma_wait3A_92 = arith.constant 0 : i32
      %dma_wait3A_93 = tpu.memref_slice %arg5[%arg0, %add3A_85, %dma_wait3A_92] : memref<2x10240x128xf32, #tpu.memory_space<hbm>> -> memref<1x128x128xf32, #tpu.memory_space<hbm>>
      %dma_wait3A_94 = tpu.memref_squeeze %dma_wait3A_93 : memref<1x128x128xf32, #tpu.memory_space<hbm>> -> memref<128x128xf32, #tpu.memory_space<hbm>>
      %dma_wait3A_95 = arith.constant 0 : i32
      %dma_wait3A_96 = tpu.memref_slice %arg5[%arg0, %add3A_85, %dma_wait3A_95] : memref<2x10240x128xf32, #tpu.memory_space<hbm>> -> memref<1x128x128xf32, #tpu.memory_space<hbm>>
      %dma_wait3A_97 = tpu.memref_squeeze %dma_wait3A_96 : memref<1x128x128xf32, #tpu.memory_space<hbm>> -> memref<128x128xf32, #tpu.memory_space<hbm>>
      tpu.wait_dma2 semaphore(%run_scoped3A : memref<!tpu.dma_semaphore, #tpu.memory_space<semaphore_mem>>) src(%arg8 : memref<128x128xf32, #tpu.memory_space<vmem>>) dst(%dma_wait3A_97 : memref<128x128xf32, #tpu.memory_space<hbm>>)
      tpu.yield
    }) : () -> ()
    return
  }
}

#map = affine_map<(d0, d1) -> (0, 0)>
#map1 = affine_map<(d0, d1) -> (0, 0, 0)>
module attributes {stable_mosaic.version = 14 : i64} {
  func.func @_agg_body(%arg0: i32, %arg1: i32, %arg2: memref<10000x128xf32, #tpu.memory_space<hbm>>, %arg3: memref<32x79x128xi32, #tpu.memory_space<hbm>>, %arg4: memref<32x79x128xi32, #tpu.memory_space<hbm>>, %arg5: memref<2x10240x128xf32, #tpu.memory_space<hbm>>, %arg6: memref<79x128xi32, #tpu.memory_space<vmem>>, %arg7: memref<79x128xi32, #tpu.memory_space<vmem>>, %arg8: memref<128x128xf32, #tpu.memory_space<vmem>>, %arg9: memref<10240x128xf32, #tpu.memory_space<vmem_shared>>, %arg10: memref<!tpu.dma_semaphore, #tpu.memory_space<semaphore_mem>>) attributes {dimension_semantics = [#tpu.dimension_semantics<core_parallel>, #tpu.dimension_semantics<subcore_parallel>], iteration_bounds = array<i64: 2, 16>, scalar_prefetch = 0 : i64, scratch_operands = 5 : i64, tpu.core_type = #tpu.core_type<sc_vector_subcore>, window_params = [{transform_indices = #map}, {transform_indices = #map1}, {transform_indices = #map1}, {transform_indices = #map1}]} {
    %mul3A = arith.constant 16 : i32
    %mul3A_0 = arith.muli %arg0, %mul3A : i32
    %add3A = arith.addi %mul3A_0, %arg1 : i32
    %broadcast_in_dim3A = arith.constant 0.000000e+00 : f32
    %broadcast_in_dim3A_1 = vector.broadcast %broadcast_in_dim3A : f32 to vector<16xf32>
    %scan3A = arith.constant 0 : i32
    %scan3A_2 = arith.constant 0 : i32
    %scan3A_3 = arith.constant 128 : i32
    %scan3A_4 = arith.addi %scan3A_2, %scan3A_3 : i32
    %scan3A_5 = arith.constant 1 : i32
    %scan3A_6 = scf.for %scan3A_86 = %scan3A_2 to %scan3A_4 step %scan3A_5 iter_args(%scan3A_87 = %scan3A) -> (i32)  : i32 {
      %scan3A_88 = arith.constant 0 : i32
      %scan3A_89 = arith.constant 0 : i32
      %scan3A_90 = arith.constant 8 : i32
      %scan3A_91 = arith.addi %scan3A_89, %scan3A_90 : i32
      %scan3A_92 = arith.constant 1 : i32
      %scan3A_93 = scf.for %scan3A_96 = %scan3A_89 to %scan3A_91 step %scan3A_92 iter_args(%scan3A_97 = %scan3A_88) -> (i32)  : i32 {
        %mul3A_98 = arith.constant 16 : i32
        %mul3A_99 = arith.muli %scan3A_96, %mul3A_98 : i32
        %swap3A = arith.index_cast %scan3A_86 : i32 to index
        %swap3A_100 = arith.index_cast %mul3A_99 : i32 to index
        %swap3A_101 = tpu.vector_load %arg8[%swap3A, %swap3A_100] {strides = array<i32>} : memref<128x128xf32, #tpu.memory_space<vmem>>, vector<1x16xf32>,
        %swap3A_102 = vector.shape_cast %swap3A_101 : vector<1x16xf32> to vector<16xf32>
        %swap3A_103 = vector.shape_cast %broadcast_in_dim3A_1 : vector<16xf32> to vector<1x16xf32>
        tpu.vector_store %arg8[%swap3A, %swap3A_100], %swap3A_103 {strides = array<i32>} : memref<128x128xf32, #tpu.memory_space<vmem>>, vector<1x16xf32>,
        %scan3A_104 = arith.constant 0 : i32
        scf.yield %scan3A_104 : i32
      }
      %scan3A_94 = arith.constant 8 : i32
      %scan3A_95 = arith.constant 0 : i32
      scf.yield %scan3A_95 : i32
    }
    %scan3A_7 = arith.constant 128 : i32
    %mul3A_8 = arith.constant 640 : i32
    %mul3A_9 = arith.muli %arg1, %mul3A_8 : i32
    %add3A_10 = arith.constant 0 : i32
    %add3A_11 = arith.addi %mul3A_9, %add3A_10 : i32
    "tpu.region"() ({
      %run_scoped3A = tpu.sem_alloc : memref<!tpu.dma_semaphore, #tpu.memory_space<semaphore_mem>>
      %dma_start3A_86 = arith.constant 0 : i32
      %dma_start3A_87 = tpu.memref_slice %arg9[%add3A_11, %dma_start3A_86] : memref<10240x128xf32, #tpu.memory_space<vmem_shared>> -> memref<128x128xf32, #tpu.memory_space<vmem_shared>>
      %dma_start3A_88 = arith.constant 0 : i32
      %dma_start3A_89 = tpu.memref_slice %arg9[%add3A_11, %dma_start3A_88] : memref<10240x128xf32, #tpu.memory_space<vmem_shared>> -> memref<128x128xf32, #tpu.memory_space<vmem_shared>>
      tpu.enqueue_dma source(%arg8 : memref<128x128xf32, #tpu.memory_space<vmem>>) target(%dma_start3A_89 : memref<128x128xf32, #tpu.memory_space<vmem_shared>>) target_semaphore(%run_scoped3A : memref<!tpu.dma_semaphore, #tpu.memory_space<semaphore_mem>>)
      %dma_wait3A_90 = arith.constant 0 : i32
      %dma_wait3A_91 = tpu.memref_slice %arg9[%add3A_11, %dma_wait3A_90] : memref<10240x128xf32, #tpu.memory_space<vmem_shared>> -> memref<128x128xf32, #tpu.memory_space<vmem_shared>>
      %dma_wait3A_92 = arith.constant 0 : i32
      %dma_wait3A_93 = tpu.memref_slice %arg9[%add3A_11, %dma_wait3A_92] : memref<10240x128xf32, #tpu.memory_space<vmem_shared>> -> memref<128x128xf32, #tpu.memory_space<vmem_shared>>
      tpu.wait_dma2 semaphore(%run_scoped3A : memref<!tpu.dma_semaphore, #tpu.memory_space<semaphore_mem>>) src(%arg8 : memref<128x128xf32, #tpu.memory_space<vmem>>) dst(%dma_wait3A_93 : memref<128x128xf32, #tpu.memory_space<vmem_shared>>)
      tpu.yield
    }) : () -> ()
    %mul3A_12 = arith.constant 640 : i32
    %mul3A_13 = arith.muli %arg1, %mul3A_12 : i32
    %add3A_14 = arith.constant 128 : i32
    %add3A_15 = arith.addi %mul3A_13, %add3A_14 : i32
    "tpu.region"() ({
      %run_scoped3A = tpu.sem_alloc : memref<!tpu.dma_semaphore, #tpu.memory_space<semaphore_mem>>
      %dma_start3A_86 = arith.constant 0 : i32
      %dma_start3A_87 = tpu.memref_slice %arg9[%add3A_15, %dma_start3A_86] : memref<10240x128xf32, #tpu.memory_space<vmem_shared>> -> memref<128x128xf32, #tpu.memory_space<vmem_shared>>
      %dma_start3A_88 = arith.constant 0 : i32
      %dma_start3A_89 = tpu.memref_slice %arg9[%add3A_15, %dma_start3A_88] : memref<10240x128xf32, #tpu.memory_space<vmem_shared>> -> memref<128x128xf32, #tpu.memory_space<vmem_shared>>
      tpu.enqueue_dma source(%arg8 : memref<128x128xf32, #tpu.memory_space<vmem>>) target(%dma_start3A_89 : memref<128x128xf32, #tpu.memory_space<vmem_shared>>) target_semaphore(%run_scoped3A : memref<!tpu.dma_semaphore, #tpu.memory_space<semaphore_mem>>)
      %dma_wait3A_90 = arith.constant 0 : i32
      %dma_wait3A_91 = tpu.memref_slice %arg9[%add3A_15, %dma_wait3A_90] : memref<10240x128xf32, #tpu.memory_space<vmem_shared>> -> memref<128x128xf32, #tpu.memory_space<vmem_shared>>
      %dma_wait3A_92 = arith.constant 0 : i32
      %dma_wait3A_93 = tpu.memref_slice %arg9[%add3A_15, %dma_wait3A_92] : memref<10240x128xf32, #tpu.memory_space<vmem_shared>> -> memref<128x128xf32, #tpu.memory_space<vmem_shared>>
      tpu.wait_dma2 semaphore(%run_scoped3A : memref<!tpu.dma_semaphore, #tpu.memory_space<semaphore_mem>>) src(%arg8 : memref<128x128xf32, #tpu.memory_space<vmem>>) dst(%dma_wait3A_93 : memref<128x128xf32, #tpu.memory_space<vmem_shared>>)
      tpu.yield
    }) : () -> ()
    %mul3A_16 = arith.constant 640 : i32
    %mul3A_17 = arith.muli %arg1, %mul3A_16 : i32
    %add3A_18 = arith.constant 256 : i32
    %add3A_19 = arith.addi %mul3A_17, %add3A_18 : i32
    "tpu.region"() ({
      %run_scoped3A = tpu.sem_alloc : memref<!tpu.dma_semaphore, #tpu.memory_space<semaphore_mem>>
      %dma_start3A_86 = arith.constant 0 : i32
      %dma_start3A_87 = tpu.memref_slice %arg9[%add3A_19, %dma_start3A_86] : memref<10240x128xf32, #tpu.memory_space<vmem_shared>> -> memref<128x128xf32, #tpu.memory_space<vmem_shared>>
      %dma_start3A_88 = arith.constant 0 : i32
      %dma_start3A_89 = tpu.memref_slice %arg9[%add3A_19, %dma_start3A_88] : memref<10240x128xf32, #tpu.memory_space<vmem_shared>> -> memref<128x128xf32, #tpu.memory_space<vmem_shared>>
      tpu.enqueue_dma source(%arg8 : memref<128x128xf32, #tpu.memory_space<vmem>>) target(%dma_start3A_89 : memref<128x128xf32, #tpu.memory_space<vmem_shared>>) target_semaphore(%run_scoped3A : memref<!tpu.dma_semaphore, #tpu.memory_space<semaphore_mem>>)
      %dma_wait3A_90 = arith.constant 0 : i32
      %dma_wait3A_91 = tpu.memref_slice %arg9[%add3A_19, %dma_wait3A_90] : memref<10240x128xf32, #tpu.memory_space<vmem_shared>> -> memref<128x128xf32, #tpu.memory_space<vmem_shared>>
      %dma_wait3A_92 = arith.constant 0 : i32
      %dma_wait3A_93 = tpu.memref_slice %arg9[%add3A_19, %dma_wait3A_92] : memref<10240x128xf32, #tpu.memory_space<vmem_shared>> -> memref<128x128xf32, #tpu.memory_space<vmem_shared>>
      tpu.wait_dma2 semaphore(%run_scoped3A : memref<!tpu.dma_semaphore, #tpu.memory_space<semaphore_mem>>) src(%arg8 : memref<128x128xf32, #tpu.memory_space<vmem>>) dst(%dma_wait3A_93 : memref<128x128xf32, #tpu.memory_space<vmem_shared>>)
      tpu.yield
    }) : () -> ()
    %mul3A_20 = arith.constant 640 : i32
    %mul3A_21 = arith.muli %arg1, %mul3A_20 : i32
    %add3A_22 = arith.constant 384 : i32
    %add3A_23 = arith.addi %mul3A_21, %add3A_22 : i32
    "tpu.region"() ({
      %run_scoped3A = tpu.sem_alloc : memref<!tpu.dma_semaphore, #tpu.memory_space<semaphore_mem>>
      %dma_start3A_86 = arith.constant 0 : i32
      %dma_start3A_87 = tpu.memref_slice %arg9[%add3A_23, %dma_start3A_86] : memref<10240x128xf32, #tpu.memory_space<vmem_shared>> -> memref<128x128xf32, #tpu.memory_space<vmem_shared>>
      %dma_start3A_88 = arith.constant 0 : i32
      %dma_start3A_89 = tpu.memref_slice %arg9[%add3A_23, %dma_start3A_88] : memref<10240x128xf32, #tpu.memory_space<vmem_shared>> -> memref<128x128xf32, #tpu.memory_space<vmem_shared>>
      tpu.enqueue_dma source(%arg8 : memref<128x128xf32, #tpu.memory_space<vmem>>) target(%dma_start3A_89 : memref<128x128xf32, #tpu.memory_space<vmem_shared>>) target_semaphore(%run_scoped3A : memref<!tpu.dma_semaphore, #tpu.memory_space<semaphore_mem>>)
      %dma_wait3A_90 = arith.constant 0 : i32
      %dma_wait3A_91 = tpu.memref_slice %arg9[%add3A_23, %dma_wait3A_90] : memref<10240x128xf32, #tpu.memory_space<vmem_shared>> -> memref<128x128xf32, #tpu.memory_space<vmem_shared>>
      %dma_wait3A_92 = arith.constant 0 : i32
      %dma_wait3A_93 = tpu.memref_slice %arg9[%add3A_23, %dma_wait3A_92] : memref<10240x128xf32, #tpu.memory_space<vmem_shared>> -> memref<128x128xf32, #tpu.memory_space<vmem_shared>>
      tpu.wait_dma2 semaphore(%run_scoped3A : memref<!tpu.dma_semaphore, #tpu.memory_space<semaphore_mem>>) src(%arg8 : memref<128x128xf32, #tpu.memory_space<vmem>>) dst(%dma_wait3A_93 : memref<128x128xf32, #tpu.memory_space<vmem_shared>>)
      tpu.yield
    }) : () -> ()
    %mul3A_24 = arith.constant 640 : i32
    %mul3A_25 = arith.muli %arg1, %mul3A_24 : i32
    %add3A_26 = arith.constant 512 : i32
    %add3A_27 = arith.addi %mul3A_25, %add3A_26 : i32
    "tpu.region"() ({
      %run_scoped3A = tpu.sem_alloc : memref<!tpu.dma_semaphore, #tpu.memory_space<semaphore_mem>>
      %dma_start3A_86 = arith.constant 0 : i32
      %dma_start3A_87 = tpu.memref_slice %arg9[%add3A_27, %dma_start3A_86] : memref<10240x128xf32, #tpu.memory_space<vmem_shared>> -> memref<128x128xf32, #tpu.memory_space<vmem_shared>>
      %dma_start3A_88 = arith.constant 0 : i32
      %dma_start3A_89 = tpu.memref_slice %arg9[%add3A_27, %dma_start3A_88] : memref<10240x128xf32, #tpu.memory_space<vmem_shared>> -> memref<128x128xf32, #tpu.memory_space<vmem_shared>>
      tpu.enqueue_dma source(%arg8 : memref<128x128xf32, #tpu.memory_space<vmem>>) target(%dma_start3A_89 : memref<128x128xf32, #tpu.memory_space<vmem_shared>>) target_semaphore(%run_scoped3A : memref<!tpu.dma_semaphore, #tpu.memory_space<semaphore_mem>>)
      %dma_wait3A_90 = arith.constant 0 : i32
      %dma_wait3A_91 = tpu.memref_slice %arg9[%add3A_27, %dma_wait3A_90] : memref<10240x128xf32, #tpu.memory_space<vmem_shared>> -> memref<128x128xf32, #tpu.memory_space<vmem_shared>>
      %dma_wait3A_92 = arith.constant 0 : i32
      %dma_wait3A_93 = tpu.memref_slice %arg9[%add3A_27, %dma_wait3A_92] : memref<10240x128xf32, #tpu.memory_space<vmem_shared>> -> memref<128x128xf32, #tpu.memory_space<vmem_shared>>
      tpu.wait_dma2 semaphore(%run_scoped3A : memref<!tpu.dma_semaphore, #tpu.memory_space<semaphore_mem>>) src(%arg8 : memref<128x128xf32, #tpu.memory_space<vmem>>) dst(%dma_wait3A_93 : memref<128x128xf32, #tpu.memory_space<vmem_shared>>)
      tpu.yield
    }) : () -> ()
    %barrier3A = arith.constant 0 : index
    tpu.barrier barrier_id(%barrier3A)
    %dma_start3A = arith.constant 0 : i32
    %dma_start3A_28 = arith.constant 0 : i32
    %dma_start3A_29 = tpu.memref_slice %arg3[%add3A, %dma_start3A, %dma_start3A_28] : memref<32x79x128xi32, #tpu.memory_space<hbm>> -> memref<1x79x128xi32, #tpu.memory_space<hbm>>
    %dma_start3A_30 = tpu.memref_squeeze %dma_start3A_29 : memref<1x79x128xi32, #tpu.memory_space<hbm>> -> memref<79x128xi32, #tpu.memory_space<hbm>>
    %dma_start3A_31 = arith.constant 0 : i32
    %dma_start3A_32 = arith.constant 0 : i32
    %dma_start3A_33 = tpu.memref_slice %arg3[%add3A, %dma_start3A_31, %dma_start3A_32] : memref<32x79x128xi32, #tpu.memory_space<hbm>> -> memref<1x79x128xi32, #tpu.memory_space<hbm>>
    %dma_start3A_34 = tpu.memref_squeeze %dma_start3A_33 : memref<1x79x128xi32, #tpu.memory_space<hbm>> -> memref<79x128xi32, #tpu.memory_space<hbm>>
    tpu.enqueue_dma source(%dma_start3A_34 : memref<79x128xi32, #tpu.memory_space<hbm>>) target(%arg6 : memref<79x128xi32, #tpu.memory_space<vmem>>) target_semaphore(%arg10 : memref<!tpu.dma_semaphore, #tpu.memory_space<semaphore_mem>>)
    %dma_wait3A = arith.constant 0 : i32
    %dma_wait3A_35 = arith.constant 0 : i32
    %dma_wait3A_36 = tpu.memref_slice %arg3[%add3A, %dma_wait3A, %dma_wait3A_35] : memref<32x79x128xi32, #tpu.memory_space<hbm>> -> memref<1x79x128xi32, #tpu.memory_space<hbm>>
    %dma_wait3A_37 = tpu.memref_squeeze %dma_wait3A_36 : memref<1x79x128xi32, #tpu.memory_space<hbm>> -> memref<79x128xi32, #tpu.memory_space<hbm>>
    %dma_wait3A_38 = arith.constant 0 : i32
    %dma_wait3A_39 = arith.constant 0 : i32
    %dma_wait3A_40 = tpu.memref_slice %arg3[%add3A, %dma_wait3A_38, %dma_wait3A_39] : memref<32x79x128xi32, #tpu.memory_space<hbm>> -> memref<1x79x128xi32, #tpu.memory_space<hbm>>
    %dma_wait3A_41 = tpu.memref_squeeze %dma_wait3A_40 : memref<1x79x128xi32, #tpu.memory_space<hbm>> -> memref<79x128xi32, #tpu.memory_space<hbm>>
    tpu.wait_dma2 semaphore(%arg10 : memref<!tpu.dma_semaphore, #tpu.memory_space<semaphore_mem>>) src(%dma_wait3A_41 : memref<79x128xi32, #tpu.memory_space<hbm>>) dst(%arg6 : memref<79x128xi32, #tpu.memory_space<vmem>>)
    %dma_start3A_42 = arith.constant 0 : i32
    %dma_start3A_43 = arith.constant 0 : i32
    %dma_start3A_44 = tpu.memref_slice %arg4[%add3A, %dma_start3A_42, %dma_start3A_43] : memref<32x79x128xi32, #tpu.memory_space<hbm>> -> memref<1x79x128xi32, #tpu.memory_space<hbm>>
    %dma_start3A_45 = tpu.memref_squeeze %dma_start3A_44 : memref<1x79x128xi32, #tpu.memory_space<hbm>> -> memref<79x128xi32, #tpu.memory_space<hbm>>
    %dma_start3A_46 = arith.constant 0 : i32
    %dma_start3A_47 = arith.constant 0 : i32
    %dma_start3A_48 = tpu.memref_slice %arg4[%add3A, %dma_start3A_46, %dma_start3A_47] : memref<32x79x128xi32, #tpu.memory_space<hbm>> -> memref<1x79x128xi32, #tpu.memory_space<hbm>>
    %dma_start3A_49 = tpu.memref_squeeze %dma_start3A_48 : memref<1x79x128xi32, #tpu.memory_space<hbm>> -> memref<79x128xi32, #tpu.memory_space<hbm>>
    tpu.enqueue_dma source(%dma_start3A_49 : memref<79x128xi32, #tpu.memory_space<hbm>>) target(%arg7 : memref<79x128xi32, #tpu.memory_space<vmem>>) target_semaphore(%arg10 : memref<!tpu.dma_semaphore, #tpu.memory_space<semaphore_mem>>)
    %dma_wait3A_50 = arith.constant 0 : i32
    %dma_wait3A_51 = arith.constant 0 : i32
    %dma_wait3A_52 = tpu.memref_slice %arg4[%add3A, %dma_wait3A_50, %dma_wait3A_51] : memref<32x79x128xi32, #tpu.memory_space<hbm>> -> memref<1x79x128xi32, #tpu.memory_space<hbm>>
    %dma_wait3A_53 = tpu.memref_squeeze %dma_wait3A_52 : memref<1x79x128xi32, #tpu.memory_space<hbm>> -> memref<79x128xi32, #tpu.memory_space<hbm>>
    %dma_wait3A_54 = arith.constant 0 : i32
    %dma_wait3A_55 = arith.constant 0 : i32
    %dma_wait3A_56 = tpu.memref_slice %arg4[%add3A, %dma_wait3A_54, %dma_wait3A_55] : memref<32x79x128xi32, #tpu.memory_space<hbm>> -> memref<1x79x128xi32, #tpu.memory_space<hbm>>
    %dma_wait3A_57 = tpu.memref_squeeze %dma_wait3A_56 : memref<1x79x128xi32, #tpu.memory_space<hbm>> -> memref<79x128xi32, #tpu.memory_space<hbm>>
    tpu.wait_dma2 semaphore(%arg10 : memref<!tpu.dma_semaphore, #tpu.memory_space<semaphore_mem>>) src(%dma_wait3A_57 : memref<79x128xi32, #tpu.memory_space<hbm>>) dst(%arg7 : memref<79x128xi32, #tpu.memory_space<vmem>>)
    %scan3A_58 = arith.constant 0 : i32
    %scan3A_59 = arith.constant 0 : i32
    %scan3A_60 = arith.constant 79 : i32
    %scan3A_61 = arith.addi %scan3A_59, %scan3A_60 : i32
    %scan3A_62 = arith.constant 1 : i32
    %scan3A_63 = scf.for %scan3A_86 = %scan3A_59 to %scan3A_61 step %scan3A_62 iter_args(%scan3A_87 = %scan3A_58) -> (i32)  : i32 {
      %dma_start3A_88 = arith.constant 0 : i32
      %dma_start3A_89 = tpu.memref_slice %arg6[%scan3A_86, %dma_start3A_88] : memref<79x128xi32, #tpu.memory_space<vmem>> -> memref<1x128xi32, #tpu.memory_space<vmem>>
      %dma_start3A_90 = tpu.memref_squeeze %dma_start3A_89 : memref<1x128xi32, #tpu.memory_space<vmem>> -> memref<128xi32, #tpu.memory_space<vmem>>
      %dma_start3A_91 = arith.constant 0 : i32
      %dma_start3A_92 = arith.constant 0 : i32
      %dma_start3A_93 = tpu.memref_slice %arg2[%dma_start3A_91, %dma_start3A_92] : memref<10000x128xf32, #tpu.memory_space<hbm>> -> memref<10000x128xf32, #tpu.memory_space<hbm>>
      tpu.enqueue_indirect_dma source(%dma_start3A_93 : memref<10000x128xf32, #tpu.memory_space<hbm>>) target(%arg8 : memref<128x128xf32, #tpu.memory_space<vmem>>) offsets(%dma_start3A_90 : memref<128xi32, #tpu.memory_space<vmem>>) semaphore(%arg10 : memref<!tpu.dma_semaphore, #tpu.memory_space<semaphore_mem>>)
      %dma_wait3A_94 = arith.constant 0 : i32
      %dma_wait3A_95 = tpu.memref_slice %arg6[%scan3A_86, %dma_wait3A_94] : memref<79x128xi32, #tpu.memory_space<vmem>> -> memref<1x128xi32, #tpu.memory_space<vmem>>
      %dma_wait3A_96 = tpu.memref_squeeze %dma_wait3A_95 : memref<1x128xi32, #tpu.memory_space<vmem>> -> memref<128xi32, #tpu.memory_space<vmem>>
      %dma_wait3A_97 = arith.constant 0 : i32
      %dma_wait3A_98 = arith.constant 0 : i32
      %dma_wait3A_99 = tpu.memref_slice %arg2[%dma_wait3A_97, %dma_wait3A_98] : memref<10000x128xf32, #tpu.memory_space<hbm>> -> memref<10000x128xf32, #tpu.memory_space<hbm>>
      tpu.wait_indirect_dma semaphore(%arg10 : memref<!tpu.dma_semaphore, #tpu.memory_space<semaphore_mem>>) src(%dma_wait3A_99 : memref<10000x128xf32, #tpu.memory_space<hbm>>) dst(%arg8 : memref<128x128xf32, #tpu.memory_space<vmem>>)
      "tpu.region"() ({
        %run_scoped3A = tpu.sem_alloc : memref<!tpu.dma_semaphore, #tpu.memory_space<semaphore_mem>>
        %dma_start3A_101 = arith.constant 0 : i32
        %dma_start3A_102 = tpu.memref_slice %arg7[%scan3A_86, %dma_start3A_101] : memref<79x128xi32, #tpu.memory_space<vmem>> -> memref<1x128xi32, #tpu.memory_space<vmem>>
        %dma_start3A_103 = tpu.memref_squeeze %dma_start3A_102 : memref<1x128xi32, #tpu.memory_space<vmem>> -> memref<128xi32, #tpu.memory_space<vmem>>
        %dma_start3A_104 = arith.constant 0 : i32
        %dma_start3A_105 = arith.constant 0 : i32
        %dma_start3A_106 = tpu.memref_slice %arg9[%dma_start3A_104, %dma_start3A_105] : memref<10240x128xf32, #tpu.memory_space<vmem_shared>> -> memref<10240x128xf32, #tpu.memory_space<vmem_shared>>
        tpu.enqueue_indirect_dma source(%arg8 : memref<128x128xf32, #tpu.memory_space<vmem>>) target(%dma_start3A_106 : memref<10240x128xf32, #tpu.memory_space<vmem_shared>>) offsets(%dma_start3A_103 : memref<128xi32, #tpu.memory_space<vmem>>) semaphore(%run_scoped3A : memref<!tpu.dma_semaphore, #tpu.memory_space<semaphore_mem>>) {add = true}
        %dma_wait3A_107 = arith.constant 0 : i32
        %dma_wait3A_108 = tpu.memref_slice %arg7[%scan3A_86, %dma_wait3A_107] : memref<79x128xi32, #tpu.memory_space<vmem>> -> memref<1x128xi32, #tpu.memory_space<vmem>>
        %dma_wait3A_109 = tpu.memref_squeeze %dma_wait3A_108 : memref<1x128xi32, #tpu.memory_space<vmem>> -> memref<128xi32, #tpu.memory_space<vmem>>
        %dma_wait3A_110 = arith.constant 0 : i32
        %dma_wait3A_111 = arith.constant 0 : i32
        %dma_wait3A_112 = tpu.memref_slice %arg9[%dma_wait3A_110, %dma_wait3A_111] : memref<10240x128xf32, #tpu.memory_space<vmem_shared>> -> memref<10240x128xf32, #tpu.memory_space<vmem_shared>>
        tpu.wait_indirect_dma semaphore(%run_scoped3A : memref<!tpu.dma_semaphore, #tpu.memory_space<semaphore_mem>>) src(%arg8 : memref<128x128xf32, #tpu.memory_space<vmem>>) dst(%dma_wait3A_112 : memref<10240x128xf32, #tpu.memory_space<vmem_shared>>)
        tpu.yield
      }) : () -> ()
      %scan3A_100 = arith.constant 0 : i32
      scf.yield %scan3A_100 : i32
    }
    %scan3A_64 = arith.constant 79 : i32
    %barrier3A_65 = arith.constant 0 : index
    tpu.barrier barrier_id(%barrier3A_65)
    %mul3A_66 = arith.constant 640 : i32
    %mul3A_67 = arith.muli %arg1, %mul3A_66 : i32
    %add3A_68 = arith.constant 0 : i32
    %add3A_69 = arith.addi %mul3A_67, %add3A_68 : i32
    "tpu.region"() ({
      %run_scoped3A = tpu.sem_alloc : memref<!tpu.dma_semaphore, #tpu.memory_space<semaphore_mem>>
      %dma_start3A_86 = arith.constant 0 : i32
      %dma_start3A_87 = tpu.memref_slice %arg9[%add3A_69, %dma_start3A_86] : memref<10240x128xf32, #tpu.memory_space<vmem_shared>> -> memref<128x128xf32, #tpu.memory_space<vmem_shared>>
      %dma_start3A_88 = arith.constant 0 : i32
      %dma_start3A_89 = tpu.memref_slice %arg9[%add3A_69, %dma_start3A_88] : memref<10240x128xf32, #tpu.memory_space<vmem_shared>> -> memref<128x128xf32, #tpu.memory_space<vmem_shared>>
      tpu.enqueue_dma source(%dma_start3A_89 : memref<128x128xf32, #tpu.memory_space<vmem_shared>>) target(%arg8 : memref<128x128xf32, #tpu.memory_space<vmem>>) target_semaphore(%run_scoped3A : memref<!tpu.dma_semaphore, #tpu.memory_space<semaphore_mem>>)
      %dma_wait3A_90 = arith.constant 0 : i32
      %dma_wait3A_91 = tpu.memref_slice %arg9[%add3A_69, %dma_wait3A_90] : memref<10240x128xf32, #tpu.memory_space<vmem_shared>> -> memref<128x128xf32, #tpu.memory_space<vmem_shared>>
      %dma_wait3A_92 = arith.constant 0 : i32
      %dma_wait3A_93 = tpu.memref_slice %arg9[%add3A_69, %dma_wait3A_92] : memref<10240x128xf32, #tpu.memory_space<vmem_shared>> -> memref<128x128xf32, #tpu.memory_space<vmem_shared>>
      tpu.wait_dma2 semaphore(%run_scoped3A : memref<!tpu.dma_semaphore, #tpu.memory_space<semaphore_mem>>) src(%dma_wait3A_93 : memref<128x128xf32, #tpu.memory_space<vmem_shared>>) dst(%arg8 : memref<128x128xf32, #tpu.memory_space<vmem>>)
      tpu.yield
    }) : () -> ()
    "tpu.region"() ({
      %run_scoped3A = tpu.sem_alloc : memref<!tpu.dma_semaphore, #tpu.memory_space<semaphore_mem>>
      %dma_start3A_86 = arith.constant 0 : i32
      %dma_start3A_87 = tpu.memref_slice %arg5[%arg0, %add3A_69, %dma_start3A_86] : memref<2x10240x128xf32, #tpu.memory_space<hbm>> -> memref<1x128x128xf32, #tpu.memory_space<hbm>>
      %dma_start3A_88 = tpu.memref_squeeze %dma_start3A_87 : memref<1x128x128xf32, #tpu.memory_space<hbm>> -> memref<128x128xf32, #tpu.memory_space<hbm>>
      %dma_start3A_89 = arith.constant 0 : i32
      %dma_start3A_90 = tpu.memref_slice %arg5[%arg0, %add3A_69, %dma_start3A_89] : memref<2x10240x128xf32, #tpu.memory_space<hbm>> -> memref<1x128x128xf32, #tpu.memory_space<hbm>>
      %dma_start3A_91 = tpu.memref_squeeze %dma_start3A_90 : memref<1x128x128xf32, #tpu.memory_space<hbm>> -> memref<128x128xf32, #tpu.memory_space<hbm>>
      tpu.enqueue_dma source(%arg8 : memref<128x128xf32, #tpu.memory_space<vmem>>) target(%dma_start3A_91 : memref<128x128xf32, #tpu.memory_space<hbm>>) target_semaphore(%run_scoped3A : memref<!tpu.dma_semaphore, #tpu.memory_space<semaphore_mem>>)
      %dma_wait3A_92 = arith.constant 0 : i32
      %dma_wait3A_93 = tpu.memref_slice %arg5[%arg0, %add3A_69, %dma_wait3A_92] : memref<2x10240x128xf32, #tpu.memory_space<hbm>> -> memref<1x128x128xf32, #tpu.memory_space<hbm>>
      %dma_wait3A_94 = tpu.memref_squeeze %dma_wait3A_93 : memref<1x128x128xf32, #tpu.memory_space<hbm>> -> memref<128x128xf32, #tpu.memory_space<hbm>>
      %dma_wait3A_95 = arith.constant 0 : i32
      %dma_wait3A_96 = tpu.memref_slice %arg5[%arg0, %add3A_69, %dma_wait3A_95] : memref<2x10240x128xf32, #tpu.memory_space<hbm>> -> memref<1x128x128xf32, #tpu.memory_space<hbm>>
      %dma_wait3A_97 = tpu.memref_squeeze %dma_wait3A_96 : memref<1x128x128xf32, #tpu.memory_space<hbm>> -> memref<128x128xf32, #tpu.memory_space<hbm>>
      tpu.wait_dma2 semaphore(%run_scoped3A : memref<!tpu.dma_semaphore, #tpu.memory_space<semaphore_mem>>) src(%arg8 : memref<128x128xf32, #tpu.memory_space<vmem>>) dst(%dma_wait3A_97 : memref<128x128xf32, #tpu.memory_space<hbm>>)
      tpu.yield
    }) : () -> ()
    %mul3A_70 = arith.constant 640 : i32
    %mul3A_71 = arith.muli %arg1, %mul3A_70 : i32
    %add3A_72 = arith.constant 128 : i32
    %add3A_73 = arith.addi %mul3A_71, %add3A_72 : i32
    "tpu.region"() ({
      %run_scoped3A = tpu.sem_alloc : memref<!tpu.dma_semaphore, #tpu.memory_space<semaphore_mem>>
      %dma_start3A_86 = arith.constant 0 : i32
      %dma_start3A_87 = tpu.memref_slice %arg9[%add3A_73, %dma_start3A_86] : memref<10240x128xf32, #tpu.memory_space<vmem_shared>> -> memref<128x128xf32, #tpu.memory_space<vmem_shared>>
      %dma_start3A_88 = arith.constant 0 : i32
      %dma_start3A_89 = tpu.memref_slice %arg9[%add3A_73, %dma_start3A_88] : memref<10240x128xf32, #tpu.memory_space<vmem_shared>> -> memref<128x128xf32, #tpu.memory_space<vmem_shared>>
      tpu.enqueue_dma source(%dma_start3A_89 : memref<128x128xf32, #tpu.memory_space<vmem_shared>>) target(%arg8 : memref<128x128xf32, #tpu.memory_space<vmem>>) target_semaphore(%run_scoped3A : memref<!tpu.dma_semaphore, #tpu.memory_space<semaphore_mem>>)
      %dma_wait3A_90 = arith.constant 0 : i32
      %dma_wait3A_91 = tpu.memref_slice %arg9[%add3A_73, %dma_wait3A_90] : memref<10240x128xf32, #tpu.memory_space<vmem_shared>> -> memref<128x128xf32, #tpu.memory_space<vmem_shared>>
      %dma_wait3A_92 = arith.constant 0 : i32
      %dma_wait3A_93 = tpu.memref_slice %arg9[%add3A_73, %dma_wait3A_92] : memref<10240x128xf32, #tpu.memory_space<vmem_shared>> -> memref<128x128xf32, #tpu.memory_space<vmem_shared>>
      tpu.wait_dma2 semaphore(%run_scoped3A : memref<!tpu.dma_semaphore, #tpu.memory_space<semaphore_mem>>) src(%dma_wait3A_93 : memref<128x128xf32, #tpu.memory_space<vmem_shared>>) dst(%arg8 : memref<128x128xf32, #tpu.memory_space<vmem>>)
      tpu.yield
    }) : () -> ()
    "tpu.region"() ({
      %run_scoped3A = tpu.sem_alloc : memref<!tpu.dma_semaphore, #tpu.memory_space<semaphore_mem>>
      %dma_start3A_86 = arith.constant 0 : i32
      %dma_start3A_87 = tpu.memref_slice %arg5[%arg0, %add3A_73, %dma_start3A_86] : memref<2x10240x128xf32, #tpu.memory_space<hbm>> -> memref<1x128x128xf32, #tpu.memory_space<hbm>>
      %dma_start3A_88 = tpu.memref_squeeze %dma_start3A_87 : memref<1x128x128xf32, #tpu.memory_space<hbm>> -> memref<128x128xf32, #tpu.memory_space<hbm>>
      %dma_start3A_89 = arith.constant 0 : i32
      %dma_start3A_90 = tpu.memref_slice %arg5[%arg0, %add3A_73, %dma_start3A_89] : memref<2x10240x128xf32, #tpu.memory_space<hbm>> -> memref<1x128x128xf32, #tpu.memory_space<hbm>>
      %dma_start3A_91 = tpu.memref_squeeze %dma_start3A_90 : memref<1x128x128xf32, #tpu.memory_space<hbm>> -> memref<128x128xf32, #tpu.memory_space<hbm>>
      tpu.enqueue_dma source(%arg8 : memref<128x128xf32, #tpu.memory_space<vmem>>) target(%dma_start3A_91 : memref<128x128xf32, #tpu.memory_space<hbm>>) target_semaphore(%run_scoped3A : memref<!tpu.dma_semaphore, #tpu.memory_space<semaphore_mem>>)
      %dma_wait3A_92 = arith.constant 0 : i32
      %dma_wait3A_93 = tpu.memref_slice %arg5[%arg0, %add3A_73, %dma_wait3A_92] : memref<2x10240x128xf32, #tpu.memory_space<hbm>> -> memref<1x128x128xf32, #tpu.memory_space<hbm>>
      %dma_wait3A_94 = tpu.memref_squeeze %dma_wait3A_93 : memref<1x128x128xf32, #tpu.memory_space<hbm>> -> memref<128x128xf32, #tpu.memory_space<hbm>>
      %dma_wait3A_95 = arith.constant 0 : i32
      %dma_wait3A_96 = tpu.memref_slice %arg5[%arg0, %add3A_73, %dma_wait3A_95] : memref<2x10240x128xf32, #tpu.memory_space<hbm>> -> memref<1x128x128xf32, #tpu.memory_space<hbm>>
      %dma_wait3A_97 = tpu.memref_squeeze %dma_wait3A_96 : memref<1x128x128xf32, #tpu.memory_space<hbm>> -> memref<128x128xf32, #tpu.memory_space<hbm>>
      tpu.wait_dma2 semaphore(%run_scoped3A : memref<!tpu.dma_semaphore, #tpu.memory_space<semaphore_mem>>) src(%arg8 : memref<128x128xf32, #tpu.memory_space<vmem>>) dst(%dma_wait3A_97 : memref<128x128xf32, #tpu.memory_space<hbm>>)
      tpu.yield
    }) : () -> ()
    %mul3A_74 = arith.constant 640 : i32
    %mul3A_75 = arith.muli %arg1, %mul3A_74 : i32
    %add3A_76 = arith.constant 256 : i32
    %add3A_77 = arith.addi %mul3A_75, %add3A_76 : i32
    "tpu.region"() ({
      %run_scoped3A = tpu.sem_alloc : memref<!tpu.dma_semaphore, #tpu.memory_space<semaphore_mem>>
      %dma_start3A_86 = arith.constant 0 : i32
      %dma_start3A_87 = tpu.memref_slice %arg9[%add3A_77, %dma_start3A_86] : memref<10240x128xf32, #tpu.memory_space<vmem_shared>> -> memref<128x128xf32, #tpu.memory_space<vmem_shared>>
      %dma_start3A_88 = arith.constant 0 : i32
      %dma_start3A_89 = tpu.memref_slice %arg9[%add3A_77, %dma_start3A_88] : memref<10240x128xf32, #tpu.memory_space<vmem_shared>> -> memref<128x128xf32, #tpu.memory_space<vmem_shared>>
      tpu.enqueue_dma source(%dma_start3A_89 : memref<128x128xf32, #tpu.memory_space<vmem_shared>>) target(%arg8 : memref<128x128xf32, #tpu.memory_space<vmem>>) target_semaphore(%run_scoped3A : memref<!tpu.dma_semaphore, #tpu.memory_space<semaphore_mem>>)
      %dma_wait3A_90 = arith.constant 0 : i32
      %dma_wait3A_91 = tpu.memref_slice %arg9[%add3A_77, %dma_wait3A_90] : memref<10240x128xf32, #tpu.memory_space<vmem_shared>> -> memref<128x128xf32, #tpu.memory_space<vmem_shared>>
      %dma_wait3A_92 = arith.constant 0 : i32
      %dma_wait3A_93 = tpu.memref_slice %arg9[%add3A_77, %dma_wait3A_92] : memref<10240x128xf32, #tpu.memory_space<vmem_shared>> -> memref<128x128xf32, #tpu.memory_space<vmem_shared>>
      tpu.wait_dma2 semaphore(%run_scoped3A : memref<!tpu.dma_semaphore, #tpu.memory_space<semaphore_mem>>) src(%dma_wait3A_93 : memref<128x128xf32, #tpu.memory_space<vmem_shared>>) dst(%arg8 : memref<128x128xf32, #tpu.memory_space<vmem>>)
      tpu.yield
    }) : () -> ()
    "tpu.region"() ({
      %run_scoped3A = tpu.sem_alloc : memref<!tpu.dma_semaphore, #tpu.memory_space<semaphore_mem>>
      %dma_start3A_86 = arith.constant 0 : i32
      %dma_start3A_87 = tpu.memref_slice %arg5[%arg0, %add3A_77, %dma_start3A_86] : memref<2x10240x128xf32, #tpu.memory_space<hbm>> -> memref<1x128x128xf32, #tpu.memory_space<hbm>>
      %dma_start3A_88 = tpu.memref_squeeze %dma_start3A_87 : memref<1x128x128xf32, #tpu.memory_space<hbm>> -> memref<128x128xf32, #tpu.memory_space<hbm>>
      %dma_start3A_89 = arith.constant 0 : i32
      %dma_start3A_90 = tpu.memref_slice %arg5[%arg0, %add3A_77, %dma_start3A_89] : memref<2x10240x128xf32, #tpu.memory_space<hbm>> -> memref<1x128x128xf32, #tpu.memory_space<hbm>>
      %dma_start3A_91 = tpu.memref_squeeze %dma_start3A_90 : memref<1x128x128xf32, #tpu.memory_space<hbm>> -> memref<128x128xf32, #tpu.memory_space<hbm>>
      tpu.enqueue_dma source(%arg8 : memref<128x128xf32, #tpu.memory_space<vmem>>) target(%dma_start3A_91 : memref<128x128xf32, #tpu.memory_space<hbm>>) target_semaphore(%run_scoped3A : memref<!tpu.dma_semaphore, #tpu.memory_space<semaphore_mem>>)
      %dma_wait3A_92 = arith.constant 0 : i32
      %dma_wait3A_93 = tpu.memref_slice %arg5[%arg0, %add3A_77, %dma_wait3A_92] : memref<2x10240x128xf32, #tpu.memory_space<hbm>> -> memref<1x128x128xf32, #tpu.memory_space<hbm>>
      %dma_wait3A_94 = tpu.memref_squeeze %dma_wait3A_93 : memref<1x128x128xf32, #tpu.memory_space<hbm>> -> memref<128x128xf32, #tpu.memory_space<hbm>>
      %dma_wait3A_95 = arith.constant 0 : i32
      %dma_wait3A_96 = tpu.memref_slice %arg5[%arg0, %add3A_77, %dma_wait3A_95] : memref<2x10240x128xf32, #tpu.memory_space<hbm>> -> memref<1x128x128xf32, #tpu.memory_space<hbm>>
      %dma_wait3A_97 = tpu.memref_squeeze %dma_wait3A_96 : memref<1x128x128xf32, #tpu.memory_space<hbm>> -> memref<128x128xf32, #tpu.memory_space<hbm>>
      tpu.wait_dma2 semaphore(%run_scoped3A : memref<!tpu.dma_semaphore, #tpu.memory_space<semaphore_mem>>) src(%arg8 : memref<128x128xf32, #tpu.memory_space<vmem>>) dst(%dma_wait3A_97 : memref<128x128xf32, #tpu.memory_space<hbm>>)
      tpu.yield
    }) : () -> ()
    %mul3A_78 = arith.constant 640 : i32
    %mul3A_79 = arith.muli %arg1, %mul3A_78 : i32
    %add3A_80 = arith.constant 384 : i32
    %add3A_81 = arith.addi %mul3A_79, %add3A_80 : i32
    "tpu.region"() ({
      %run_scoped3A = tpu.sem_alloc : memref<!tpu.dma_semaphore, #tpu.memory_space<semaphore_mem>>
      %dma_start3A_86 = arith.constant 0 : i32
      %dma_start3A_87 = tpu.memref_slice %arg9[%add3A_81, %dma_start3A_86] : memref<10240x128xf32, #tpu.memory_space<vmem_shared>> -> memref<128x128xf32, #tpu.memory_space<vmem_shared>>
      %dma_start3A_88 = arith.constant 0 : i32
      %dma_start3A_89 = tpu.memref_slice %arg9[%add3A_81, %dma_start3A_88] : memref<10240x128xf32, #tpu.memory_space<vmem_shared>> -> memref<128x128xf32, #tpu.memory_space<vmem_shared>>
      tpu.enqueue_dma source(%dma_start3A_89 : memref<128x128xf32, #tpu.memory_space<vmem_shared>>) target(%arg8 : memref<128x128xf32, #tpu.memory_space<vmem>>) target_semaphore(%run_scoped3A : memref<!tpu.dma_semaphore, #tpu.memory_space<semaphore_mem>>)
      %dma_wait3A_90 = arith.constant 0 : i32
      %dma_wait3A_91 = tpu.memref_slice %arg9[%add3A_81, %dma_wait3A_90] : memref<10240x128xf32, #tpu.memory_space<vmem_shared>> -> memref<128x128xf32, #tpu.memory_space<vmem_shared>>
      %dma_wait3A_92 = arith.constant 0 : i32
      %dma_wait3A_93 = tpu.memref_slice %arg9[%add3A_81, %dma_wait3A_92] : memref<10240x128xf32, #tpu.memory_space<vmem_shared>> -> memref<128x128xf32, #tpu.memory_space<vmem_shared>>
      tpu.wait_dma2 semaphore(%run_scoped3A : memref<!tpu.dma_semaphore, #tpu.memory_space<semaphore_mem>>) src(%dma_wait3A_93 : memref<128x128xf32, #tpu.memory_space<vmem_shared>>) dst(%arg8 : memref<128x128xf32, #tpu.memory_space<vmem>>)
      tpu.yield
    }) : () -> ()
    "tpu.region"() ({
      %run_scoped3A = tpu.sem_alloc : memref<!tpu.dma_semaphore, #tpu.memory_space<semaphore_mem>>
      %dma_start3A_86 = arith.constant 0 : i32
      %dma_start3A_87 = tpu.memref_slice %arg5[%arg0, %add3A_81, %dma_start3A_86] : memref<2x10240x128xf32, #tpu.memory_space<hbm>> -> memref<1x128x128xf32, #tpu.memory_space<hbm>>
      %dma_start3A_88 = tpu.memref_squeeze %dma_start3A_87 : memref<1x128x128xf32, #tpu.memory_space<hbm>> -> memref<128x128xf32, #tpu.memory_space<hbm>>
      %dma_start3A_89 = arith.constant 0 : i32
      %dma_start3A_90 = tpu.memref_slice %arg5[%arg0, %add3A_81, %dma_start3A_89] : memref<2x10240x128xf32, #tpu.memory_space<hbm>> -> memref<1x128x128xf32, #tpu.memory_space<hbm>>
      %dma_start3A_91 = tpu.memref_squeeze %dma_start3A_90 : memref<1x128x128xf32, #tpu.memory_space<hbm>> -> memref<128x128xf32, #tpu.memory_space<hbm>>
      tpu.enqueue_dma source(%arg8 : memref<128x128xf32, #tpu.memory_space<vmem>>) target(%dma_start3A_91 : memref<128x128xf32, #tpu.memory_space<hbm>>) target_semaphore(%run_scoped3A : memref<!tpu.dma_semaphore, #tpu.memory_space<semaphore_mem>>)
      %dma_wait3A_92 = arith.constant 0 : i32
      %dma_wait3A_93 = tpu.memref_slice %arg5[%arg0, %add3A_81, %dma_wait3A_92] : memref<2x10240x128xf32, #tpu.memory_space<hbm>> -> memref<1x128x128xf32, #tpu.memory_space<hbm>>
      %dma_wait3A_94 = tpu.memref_squeeze %dma_wait3A_93 : memref<1x128x128xf32, #tpu.memory_space<hbm>> -> memref<128x128xf32, #tpu.memory_space<hbm>>
      %dma_wait3A_95 = arith.constant 0 : i32
      %dma_wait3A_96 = tpu.memref_slice %arg5[%arg0, %add3A_81, %dma_wait3A_95] : memref<2x10240x128xf32, #tpu.memory_space<hbm>> -> memref<1x128x128xf32, #tpu.memory_space<hbm>>
      %dma_wait3A_97 = tpu.memref_squeeze %dma_wait3A_96 : memref<1x128x128xf32, #tpu.memory_space<hbm>> -> memref<128x128xf32, #tpu.memory_space<hbm>>
      tpu.wait_dma2 semaphore(%run_scoped3A : memref<!tpu.dma_semaphore, #tpu.memory_space<semaphore_mem>>) src(%arg8 : memref<128x128xf32, #tpu.memory_space<vmem>>) dst(%dma_wait3A_97 : memref<128x128xf32, #tpu.memory_space<hbm>>)
      tpu.yield
    }) : () -> ()
    %mul3A_82 = arith.constant 640 : i32
    %mul3A_83 = arith.muli %arg1, %mul3A_82 : i32
    %add3A_84 = arith.constant 512 : i32
    %add3A_85 = arith.addi %mul3A_83, %add3A_84 : i32
    "tpu.region"() ({
      %run_scoped3A = tpu.sem_alloc : memref<!tpu.dma_semaphore, #tpu.memory_space<semaphore_mem>>
      %dma_start3A_86 = arith.constant 0 : i32
      %dma_start3A_87 = tpu.memref_slice %arg9[%add3A_85, %dma_start3A_86] : memref<10240x128xf32, #tpu.memory_space<vmem_shared>> -> memref<128x128xf32, #tpu.memory_space<vmem_shared>>
      %dma_start3A_88 = arith.constant 0 : i32
      %dma_start3A_89 = tpu.memref_slice %arg9[%add3A_85, %dma_start3A_88] : memref<10240x128xf32, #tpu.memory_space<vmem_shared>> -> memref<128x128xf32, #tpu.memory_space<vmem_shared>>
      tpu.enqueue_dma source(%dma_start3A_89 : memref<128x128xf32, #tpu.memory_space<vmem_shared>>) target(%arg8 : memref<128x128xf32, #tpu.memory_space<vmem>>) target_semaphore(%run_scoped3A : memref<!tpu.dma_semaphore, #tpu.memory_space<semaphore_mem>>)
      %dma_wait3A_90 = arith.constant 0 : i32
      %dma_wait3A_91 = tpu.memref_slice %arg9[%add3A_85, %dma_wait3A_90] : memref<10240x128xf32, #tpu.memory_space<vmem_shared>> -> memref<128x128xf32, #tpu.memory_space<vmem_shared>>
      %dma_wait3A_92 = arith.constant 0 : i32
      %dma_wait3A_93 = tpu.memref_slice %arg9[%add3A_85, %dma_wait3A_92] : memref<10240x128xf32, #tpu.memory_space<vmem_shared>> -> memref<128x128xf32, #tpu.memory_space<vmem_shared>>
      tpu.wait_dma2 semaphore(%run_scoped3A : memref<!tpu.dma_semaphore, #tpu.memory_space<semaphore_mem>>) src(%dma_wait3A_93 : memref<128x128xf32, #tpu.memory_space<vmem_shared>>) dst(%arg8 : memref<128x128xf32, #tpu.memory_space<vmem>>)
      tpu.yield
    }) : () -> ()
    "tpu.region"() ({
      %run_scoped3A = tpu.sem_alloc : memref<!tpu.dma_semaphore, #tpu.memory_space<semaphore_mem>>
      %dma_start3A_86 = arith.constant 0 : i32
      %dma_start3A_87 = tpu.memref_slice %arg5[%arg0, %add3A_85, %dma_start3A_86] : memref<2x10240x128xf32, #tpu.memory_space<hbm>> -> memref<1x128x128xf32, #tpu.memory_space<hbm>>
      %dma_start3A_88 = tpu.memref_squeeze %dma_start3A_87 : memref<1x128x128xf32, #tpu.memory_space<hbm>> -> memref<128x128xf32, #tpu.memory_space<hbm>>
      %dma_start3A_89 = arith.constant 0 : i32
      %dma_start3A_90 = tpu.memref_slice %arg5[%arg0, %add3A_85, %dma_start3A_89] : memref<2x10240x128xf32, #tpu.memory_space<hbm>> -> memref<1x128x128xf32, #tpu.memory_space<hbm>>
      %dma_start3A_91 = tpu.memref_squeeze %dma_start3A_90 : memref<1x128x128xf32, #tpu.memory_space<hbm>> -> memref<128x128xf32, #tpu.memory_space<hbm>>
      tpu.enqueue_dma source(%arg8 : memref<128x128xf32, #tpu.memory_space<vmem>>) target(%dma_start3A_91 : memref<128x128xf32, #tpu.memory_space<hbm>>) target_semaphore(%run_scoped3A : memref<!tpu.dma_semaphore, #tpu.memory_space<semaphore_mem>>)
      %dma_wait3A_92 = arith.constant 0 : i32
      %dma_wait3A_93 = tpu.memref_slice %arg5[%arg0, %add3A_85, %dma_wait3A_92] : memref<2x10240x128xf32, #tpu.memory_space<hbm>> -> memref<1x128x128xf32, #tpu.memory_space<hbm>>
      %dma_wait3A_94 = tpu.memref_squeeze %dma_wait3A_93 : memref<1x128x128xf32, #tpu.memory_space<hbm>> -> memref<128x128xf32, #tpu.memory_space<hbm>>
      %dma_wait3A_95 = arith.constant 0 : i32
      %dma_wait3A_96 = tpu.memref_slice %arg5[%arg0, %add3A_85, %dma_wait3A_95] : memref<2x10240x128xf32, #tpu.memory_space<hbm>> -> memref<1x128x128xf32, #tpu.memory_space<hbm>>
      %dma_wait3A_97 = tpu.memref_squeeze %dma_wait3A_96 : memref<1x128x128xf32, #tpu.memory_space<hbm>> -> memref<128x128xf32, #tpu.memory_space<hbm>>
      tpu.wait_dma2 semaphore(%run_scoped3A : memref<!tpu.dma_semaphore, #tpu.memory_space<semaphore_mem>>) src(%arg8 : memref<128x128xf32, #tpu.memory_space<vmem>>) dst(%dma_wait3A_97 : memref<128x128xf32, #tpu.memory_space<hbm>>)
      tpu.yield
    }) : () -> ()
    return
  }
}

#map = affine_map<(d0, d1) -> (0, 0, 0)>
module attributes {stable_mosaic.version = 14 : i64} {
  func.func @_deg_body(%arg0: i32, %arg1: i32, %arg2: memref<32x79x128xi32, #tpu.memory_space<hbm>>, %arg3: memref<2x10240x16xf32, #tpu.memory_space<hbm>>, %arg4: memref<79x128xi32, #tpu.memory_space<vmem>>, %arg5: memref<128x16xf32, #tpu.memory_space<vmem>>, %arg6: memref<10240x16xf32, #tpu.memory_space<vmem_shared>>, %arg7: memref<!tpu.dma_semaphore, #tpu.memory_space<semaphore_mem>>) attributes {dimension_semantics = [#tpu.dimension_semantics<core_parallel>, #tpu.dimension_semantics<subcore_parallel>], iteration_bounds = array<i64: 2, 16>, scalar_prefetch = 0 : i64, scratch_operands = 4 : i64, tpu.core_type = #tpu.core_type<sc_vector_subcore>, window_params = [{transform_indices = #map}, {transform_indices = #map}]} {
    %mul3A = arith.constant 16 : i32
    %mul3A_0 = arith.muli %arg0, %mul3A : i32
    %add3A = arith.addi %mul3A_0, %arg1 : i32
    %broadcast_in_dim3A = arith.constant 0.000000e+00 : f32
    %broadcast_in_dim3A_1 = vector.broadcast %broadcast_in_dim3A : f32 to vector<16xf32>
    %scan3A = arith.constant 0 : i32
    %scan3A_2 = arith.constant 0 : i32
    %scan3A_3 = arith.constant 128 : i32
    %scan3A_4 = arith.addi %scan3A_2, %scan3A_3 : i32
    %scan3A_5 = arith.constant 1 : i32
    %scan3A_6 = scf.for %scan3A_79 = %scan3A_2 to %scan3A_4 step %scan3A_5 iter_args(%scan3A_80 = %scan3A) -> (i32)  : i32 {
      %swap3A = arith.index_cast %scan3A_79 : i32 to index
      %swap3A_81 = arith.constant 0 : index
      %swap3A_82 = tpu.vector_load %arg5[%swap3A, %swap3A_81] {strides = array<i32>} : memref<128x16xf32, #tpu.memory_space<vmem>>, vector<1x16xf32>,
      %swap3A_83 = vector.shape_cast %swap3A_82 : vector<1x16xf32> to vector<16xf32>
      %swap3A_84 = vector.shape_cast %broadcast_in_dim3A_1 : vector<16xf32> to vector<1x16xf32>
      tpu.vector_store %arg5[%swap3A, %swap3A_81], %swap3A_84 {strides = array<i32>} : memref<128x16xf32, #tpu.memory_space<vmem>>, vector<1x16xf32>,
      %scan3A_85 = arith.constant 0 : i32
      scf.yield %scan3A_85 : i32
    }
    %scan3A_7 = arith.constant 128 : i32
    %mul3A_8 = arith.constant 640 : i32
    %mul3A_9 = arith.muli %arg1, %mul3A_8 : i32
    %add3A_10 = arith.constant 0 : i32
    %add3A_11 = arith.addi %mul3A_9, %add3A_10 : i32
    "tpu.region"() ({
      %run_scoped3A = tpu.sem_alloc : memref<!tpu.dma_semaphore, #tpu.memory_space<semaphore_mem>>
      %dma_start3A_79 = arith.constant 0 : i32
      %dma_start3A_80 = tpu.memref_slice %arg6[%add3A_11, %dma_start3A_79] : memref<10240x16xf32, #tpu.memory_space<vmem_shared>> -> memref<128x16xf32, #tpu.memory_space<vmem_shared>>
      %dma_start3A_81 = arith.constant 0 : i32
      %dma_start3A_82 = tpu.memref_slice %arg6[%add3A_11, %dma_start3A_81] : memref<10240x16xf32, #tpu.memory_space<vmem_shared>> -> memref<128x16xf32, #tpu.memory_space<vmem_shared>>
      tpu.enqueue_dma source(%arg5 : memref<128x16xf32, #tpu.memory_space<vmem>>) target(%dma_start3A_82 : memref<128x16xf32, #tpu.memory_space<vmem_shared>>) target_semaphore(%run_scoped3A : memref<!tpu.dma_semaphore, #tpu.memory_space<semaphore_mem>>)
      %dma_wait3A_83 = arith.constant 0 : i32
      %dma_wait3A_84 = tpu.memref_slice %arg6[%add3A_11, %dma_wait3A_83] : memref<10240x16xf32, #tpu.memory_space<vmem_shared>> -> memref<128x16xf32, #tpu.memory_space<vmem_shared>>
      %dma_wait3A_85 = arith.constant 0 : i32
      %dma_wait3A_86 = tpu.memref_slice %arg6[%add3A_11, %dma_wait3A_85] : memref<10240x16xf32, #tpu.memory_space<vmem_shared>> -> memref<128x16xf32, #tpu.memory_space<vmem_shared>>
      tpu.wait_dma2 semaphore(%run_scoped3A : memref<!tpu.dma_semaphore, #tpu.memory_space<semaphore_mem>>) src(%arg5 : memref<128x16xf32, #tpu.memory_space<vmem>>) dst(%dma_wait3A_86 : memref<128x16xf32, #tpu.memory_space<vmem_shared>>)
      tpu.yield
    }) : () -> ()
    %mul3A_12 = arith.constant 640 : i32
    %mul3A_13 = arith.muli %arg1, %mul3A_12 : i32
    %add3A_14 = arith.constant 128 : i32
    %add3A_15 = arith.addi %mul3A_13, %add3A_14 : i32
    "tpu.region"() ({
      %run_scoped3A = tpu.sem_alloc : memref<!tpu.dma_semaphore, #tpu.memory_space<semaphore_mem>>
      %dma_start3A_79 = arith.constant 0 : i32
      %dma_start3A_80 = tpu.memref_slice %arg6[%add3A_15, %dma_start3A_79] : memref<10240x16xf32, #tpu.memory_space<vmem_shared>> -> memref<128x16xf32, #tpu.memory_space<vmem_shared>>
      %dma_start3A_81 = arith.constant 0 : i32
      %dma_start3A_82 = tpu.memref_slice %arg6[%add3A_15, %dma_start3A_81] : memref<10240x16xf32, #tpu.memory_space<vmem_shared>> -> memref<128x16xf32, #tpu.memory_space<vmem_shared>>
      tpu.enqueue_dma source(%arg5 : memref<128x16xf32, #tpu.memory_space<vmem>>) target(%dma_start3A_82 : memref<128x16xf32, #tpu.memory_space<vmem_shared>>) target_semaphore(%run_scoped3A : memref<!tpu.dma_semaphore, #tpu.memory_space<semaphore_mem>>)
      %dma_wait3A_83 = arith.constant 0 : i32
      %dma_wait3A_84 = tpu.memref_slice %arg6[%add3A_15, %dma_wait3A_83] : memref<10240x16xf32, #tpu.memory_space<vmem_shared>> -> memref<128x16xf32, #tpu.memory_space<vmem_shared>>
      %dma_wait3A_85 = arith.constant 0 : i32
      %dma_wait3A_86 = tpu.memref_slice %arg6[%add3A_15, %dma_wait3A_85] : memref<10240x16xf32, #tpu.memory_space<vmem_shared>> -> memref<128x16xf32, #tpu.memory_space<vmem_shared>>
      tpu.wait_dma2 semaphore(%run_scoped3A : memref<!tpu.dma_semaphore, #tpu.memory_space<semaphore_mem>>) src(%arg5 : memref<128x16xf32, #tpu.memory_space<vmem>>) dst(%dma_wait3A_86 : memref<128x16xf32, #tpu.memory_space<vmem_shared>>)
      tpu.yield
    }) : () -> ()
    %mul3A_16 = arith.constant 640 : i32
    %mul3A_17 = arith.muli %arg1, %mul3A_16 : i32
    %add3A_18 = arith.constant 256 : i32
    %add3A_19 = arith.addi %mul3A_17, %add3A_18 : i32
    "tpu.region"() ({
      %run_scoped3A = tpu.sem_alloc : memref<!tpu.dma_semaphore, #tpu.memory_space<semaphore_mem>>
      %dma_start3A_79 = arith.constant 0 : i32
      %dma_start3A_80 = tpu.memref_slice %arg6[%add3A_19, %dma_start3A_79] : memref<10240x16xf32, #tpu.memory_space<vmem_shared>> -> memref<128x16xf32, #tpu.memory_space<vmem_shared>>
      %dma_start3A_81 = arith.constant 0 : i32
      %dma_start3A_82 = tpu.memref_slice %arg6[%add3A_19, %dma_start3A_81] : memref<10240x16xf32, #tpu.memory_space<vmem_shared>> -> memref<128x16xf32, #tpu.memory_space<vmem_shared>>
      tpu.enqueue_dma source(%arg5 : memref<128x16xf32, #tpu.memory_space<vmem>>) target(%dma_start3A_82 : memref<128x16xf32, #tpu.memory_space<vmem_shared>>) target_semaphore(%run_scoped3A : memref<!tpu.dma_semaphore, #tpu.memory_space<semaphore_mem>>)
      %dma_wait3A_83 = arith.constant 0 : i32
      %dma_wait3A_84 = tpu.memref_slice %arg6[%add3A_19, %dma_wait3A_83] : memref<10240x16xf32, #tpu.memory_space<vmem_shared>> -> memref<128x16xf32, #tpu.memory_space<vmem_shared>>
      %dma_wait3A_85 = arith.constant 0 : i32
      %dma_wait3A_86 = tpu.memref_slice %arg6[%add3A_19, %dma_wait3A_85] : memref<10240x16xf32, #tpu.memory_space<vmem_shared>> -> memref<128x16xf32, #tpu.memory_space<vmem_shared>>
      tpu.wait_dma2 semaphore(%run_scoped3A : memref<!tpu.dma_semaphore, #tpu.memory_space<semaphore_mem>>) src(%arg5 : memref<128x16xf32, #tpu.memory_space<vmem>>) dst(%dma_wait3A_86 : memref<128x16xf32, #tpu.memory_space<vmem_shared>>)
      tpu.yield
    }) : () -> ()
    %mul3A_20 = arith.constant 640 : i32
    %mul3A_21 = arith.muli %arg1, %mul3A_20 : i32
    %add3A_22 = arith.constant 384 : i32
    %add3A_23 = arith.addi %mul3A_21, %add3A_22 : i32
    "tpu.region"() ({
      %run_scoped3A = tpu.sem_alloc : memref<!tpu.dma_semaphore, #tpu.memory_space<semaphore_mem>>
      %dma_start3A_79 = arith.constant 0 : i32
      %dma_start3A_80 = tpu.memref_slice %arg6[%add3A_23, %dma_start3A_79] : memref<10240x16xf32, #tpu.memory_space<vmem_shared>> -> memref<128x16xf32, #tpu.memory_space<vmem_shared>>
      %dma_start3A_81 = arith.constant 0 : i32
      %dma_start3A_82 = tpu.memref_slice %arg6[%add3A_23, %dma_start3A_81] : memref<10240x16xf32, #tpu.memory_space<vmem_shared>> -> memref<128x16xf32, #tpu.memory_space<vmem_shared>>
      tpu.enqueue_dma source(%arg5 : memref<128x16xf32, #tpu.memory_space<vmem>>) target(%dma_start3A_82 : memref<128x16xf32, #tpu.memory_space<vmem_shared>>) target_semaphore(%run_scoped3A : memref<!tpu.dma_semaphore, #tpu.memory_space<semaphore_mem>>)
      %dma_wait3A_83 = arith.constant 0 : i32
      %dma_wait3A_84 = tpu.memref_slice %arg6[%add3A_23, %dma_wait3A_83] : memref<10240x16xf32, #tpu.memory_space<vmem_shared>> -> memref<128x16xf32, #tpu.memory_space<vmem_shared>>
      %dma_wait3A_85 = arith.constant 0 : i32
      %dma_wait3A_86 = tpu.memref_slice %arg6[%add3A_23, %dma_wait3A_85] : memref<10240x16xf32, #tpu.memory_space<vmem_shared>> -> memref<128x16xf32, #tpu.memory_space<vmem_shared>>
      tpu.wait_dma2 semaphore(%run_scoped3A : memref<!tpu.dma_semaphore, #tpu.memory_space<semaphore_mem>>) src(%arg5 : memref<128x16xf32, #tpu.memory_space<vmem>>) dst(%dma_wait3A_86 : memref<128x16xf32, #tpu.memory_space<vmem_shared>>)
      tpu.yield
    }) : () -> ()
    %mul3A_24 = arith.constant 640 : i32
    %mul3A_25 = arith.muli %arg1, %mul3A_24 : i32
    %add3A_26 = arith.constant 512 : i32
    %add3A_27 = arith.addi %mul3A_25, %add3A_26 : i32
    "tpu.region"() ({
      %run_scoped3A = tpu.sem_alloc : memref<!tpu.dma_semaphore, #tpu.memory_space<semaphore_mem>>
      %dma_start3A_79 = arith.constant 0 : i32
      %dma_start3A_80 = tpu.memref_slice %arg6[%add3A_27, %dma_start3A_79] : memref<10240x16xf32, #tpu.memory_space<vmem_shared>> -> memref<128x16xf32, #tpu.memory_space<vmem_shared>>
      %dma_start3A_81 = arith.constant 0 : i32
      %dma_start3A_82 = tpu.memref_slice %arg6[%add3A_27, %dma_start3A_81] : memref<10240x16xf32, #tpu.memory_space<vmem_shared>> -> memref<128x16xf32, #tpu.memory_space<vmem_shared>>
      tpu.enqueue_dma source(%arg5 : memref<128x16xf32, #tpu.memory_space<vmem>>) target(%dma_start3A_82 : memref<128x16xf32, #tpu.memory_space<vmem_shared>>) target_semaphore(%run_scoped3A : memref<!tpu.dma_semaphore, #tpu.memory_space<semaphore_mem>>)
      %dma_wait3A_83 = arith.constant 0 : i32
      %dma_wait3A_84 = tpu.memref_slice %arg6[%add3A_27, %dma_wait3A_83] : memref<10240x16xf32, #tpu.memory_space<vmem_shared>> -> memref<128x16xf32, #tpu.memory_space<vmem_shared>>
      %dma_wait3A_85 = arith.constant 0 : i32
      %dma_wait3A_86 = tpu.memref_slice %arg6[%add3A_27, %dma_wait3A_85] : memref<10240x16xf32, #tpu.memory_space<vmem_shared>> -> memref<128x16xf32, #tpu.memory_space<vmem_shared>>
      tpu.wait_dma2 semaphore(%run_scoped3A : memref<!tpu.dma_semaphore, #tpu.memory_space<semaphore_mem>>) src(%arg5 : memref<128x16xf32, #tpu.memory_space<vmem>>) dst(%dma_wait3A_86 : memref<128x16xf32, #tpu.memory_space<vmem_shared>>)
      tpu.yield
    }) : () -> ()
    %barrier3A = arith.constant 0 : index
    tpu.barrier barrier_id(%barrier3A)
    %broadcast_in_dim3A_28 = arith.constant 1.000000e+00 : f32
    %broadcast_in_dim3A_29 = vector.broadcast %broadcast_in_dim3A_28 : f32 to vector<16xf32>
    %scan3A_30 = arith.constant 0 : i32
    %scan3A_31 = arith.constant 0 : i32
    %scan3A_32 = arith.constant 128 : i32
    %scan3A_33 = arith.addi %scan3A_31, %scan3A_32 : i32
    %scan3A_34 = arith.constant 1 : i32
    %scan3A_35 = scf.for %scan3A_79 = %scan3A_31 to %scan3A_33 step %scan3A_34 iter_args(%scan3A_80 = %scan3A_30) -> (i32)  : i32 {
      %swap3A = arith.index_cast %scan3A_79 : i32 to index
      %swap3A_81 = arith.constant 0 : index
      %swap3A_82 = tpu.vector_load %arg5[%swap3A, %swap3A_81] {strides = array<i32>} : memref<128x16xf32, #tpu.memory_space<vmem>>, vector<1x16xf32>,
      %swap3A_83 = vector.shape_cast %swap3A_82 : vector<1x16xf32> to vector<16xf32>
      %swap3A_84 = vector.shape_cast %broadcast_in_dim3A_29 : vector<16xf32> to vector<1x16xf32>
      tpu.vector_store %arg5[%swap3A, %swap3A_81], %swap3A_84 {strides = array<i32>} : memref<128x16xf32, #tpu.memory_space<vmem>>, vector<1x16xf32>,
      %scan3A_85 = arith.constant 0 : i32
      scf.yield %scan3A_85 : i32
    }
    %scan3A_36 = arith.constant 128 : i32
    %dma_start3A = arith.constant 0 : i32
    %dma_start3A_37 = arith.constant 0 : i32
    %dma_start3A_38 = tpu.memref_slice %arg2[%add3A, %dma_start3A, %dma_start3A_37] : memref<32x79x128xi32, #tpu.memory_space<hbm>> -> memref<1x79x128xi32, #tpu.memory_space<hbm>>
    %dma_start3A_39 = tpu.memref_squeeze %dma_start3A_38 : memref<1x79x128xi32, #tpu.memory_space<hbm>> -> memref<79x128xi32, #tpu.memory_space<hbm>>
    %dma_start3A_40 = arith.constant 0 : i32
    %dma_start3A_41 = arith.constant 0 : i32
    %dma_start3A_42 = tpu.memref_slice %arg2[%add3A, %dma_start3A_40, %dma_start3A_41] : memref<32x79x128xi32, #tpu.memory_space<hbm>> -> memref<1x79x128xi32, #tpu.memory_space<hbm>>
    %dma_start3A_43 = tpu.memref_squeeze %dma_start3A_42 : memref<1x79x128xi32, #tpu.memory_space<hbm>> -> memref<79x128xi32, #tpu.memory_space<hbm>>
    tpu.enqueue_dma source(%dma_start3A_43 : memref<79x128xi32, #tpu.memory_space<hbm>>) target(%arg4 : memref<79x128xi32, #tpu.memory_space<vmem>>) target_semaphore(%arg7 : memref<!tpu.dma_semaphore, #tpu.memory_space<semaphore_mem>>)
    %dma_wait3A = arith.constant 0 : i32
    %dma_wait3A_44 = arith.constant 0 : i32
    %dma_wait3A_45 = tpu.memref_slice %arg2[%add3A, %dma_wait3A, %dma_wait3A_44] : memref<32x79x128xi32, #tpu.memory_space<hbm>> -> memref<1x79x128xi32, #tpu.memory_space<hbm>>
    %dma_wait3A_46 = tpu.memref_squeeze %dma_wait3A_45 : memref<1x79x128xi32, #tpu.memory_space<hbm>> -> memref<79x128xi32, #tpu.memory_space<hbm>>
    %dma_wait3A_47 = arith.constant 0 : i32
    %dma_wait3A_48 = arith.constant 0 : i32
    %dma_wait3A_49 = tpu.memref_slice %arg2[%add3A, %dma_wait3A_47, %dma_wait3A_48] : memref<32x79x128xi32, #tpu.memory_space<hbm>> -> memref<1x79x128xi32, #tpu.memory_space<hbm>>
    %dma_wait3A_50 = tpu.memref_squeeze %dma_wait3A_49 : memref<1x79x128xi32, #tpu.memory_space<hbm>> -> memref<79x128xi32, #tpu.memory_space<hbm>>
    tpu.wait_dma2 semaphore(%arg7 : memref<!tpu.dma_semaphore, #tpu.memory_space<semaphore_mem>>) src(%dma_wait3A_50 : memref<79x128xi32, #tpu.memory_space<hbm>>) dst(%arg4 : memref<79x128xi32, #tpu.memory_space<vmem>>)
    %scan3A_51 = arith.constant 0 : i32
    %scan3A_52 = arith.constant 0 : i32
    %scan3A_53 = arith.constant 79 : i32
    %scan3A_54 = arith.addi %scan3A_52, %scan3A_53 : i32
    %scan3A_55 = arith.constant 1 : i32
    %scan3A_56 = scf.for %scan3A_79 = %scan3A_52 to %scan3A_54 step %scan3A_55 iter_args(%scan3A_80 = %scan3A_51) -> (i32)  : i32 {
      "tpu.region"() ({
        %run_scoped3A = tpu.sem_alloc : memref<!tpu.dma_semaphore, #tpu.memory_space<semaphore_mem>>
        %dma_start3A_82 = arith.constant 0 : i32
        %dma_start3A_83 = tpu.memref_slice %arg4[%scan3A_79, %dma_start3A_82] : memref<79x128xi32, #tpu.memory_space<vmem>> -> memref<1x128xi32, #tpu.memory_space<vmem>>
        %dma_start3A_84 = tpu.memref_squeeze %dma_start3A_83 : memref<1x128xi32, #tpu.memory_space<vmem>> -> memref<128xi32, #tpu.memory_space<vmem>>
        %dma_start3A_85 = arith.constant 0 : i32
        %dma_start3A_86 = arith.constant 0 : i32
        %dma_start3A_87 = tpu.memref_slice %arg6[%dma_start3A_85, %dma_start3A_86] : memref<10240x16xf32, #tpu.memory_space<vmem_shared>> -> memref<10240x16xf32, #tpu.memory_space<vmem_shared>>
        tpu.enqueue_indirect_dma source(%arg5 : memref<128x16xf32, #tpu.memory_space<vmem>>) target(%dma_start3A_87 : memref<10240x16xf32, #tpu.memory_space<vmem_shared>>) offsets(%dma_start3A_84 : memref<128xi32, #tpu.memory_space<vmem>>) semaphore(%run_scoped3A : memref<!tpu.dma_semaphore, #tpu.memory_space<semaphore_mem>>) {add = true}
        %dma_wait3A_88 = arith.constant 0 : i32
        %dma_wait3A_89 = tpu.memref_slice %arg4[%scan3A_79, %dma_wait3A_88] : memref<79x128xi32, #tpu.memory_space<vmem>> -> memref<1x128xi32, #tpu.memory_space<vmem>>
        %dma_wait3A_90 = tpu.memref_squeeze %dma_wait3A_89 : memref<1x128xi32, #tpu.memory_space<vmem>> -> memref<128xi32, #tpu.memory_space<vmem>>
        %dma_wait3A_91 = arith.constant 0 : i32
        %dma_wait3A_92 = arith.constant 0 : i32
        %dma_wait3A_93 = tpu.memref_slice %arg6[%dma_wait3A_91, %dma_wait3A_92] : memref<10240x16xf32, #tpu.memory_space<vmem_shared>> -> memref<10240x16xf32, #tpu.memory_space<vmem_shared>>
        tpu.wait_indirect_dma semaphore(%run_scoped3A : memref<!tpu.dma_semaphore, #tpu.memory_space<semaphore_mem>>) src(%arg5 : memref<128x16xf32, #tpu.memory_space<vmem>>) dst(%dma_wait3A_93 : memref<10240x16xf32, #tpu.memory_space<vmem_shared>>)
        tpu.yield
      }) : () -> ()
      %scan3A_81 = arith.constant 0 : i32
      scf.yield %scan3A_81 : i32
    }
    %scan3A_57 = arith.constant 79 : i32
    %barrier3A_58 = arith.constant 0 : index
    tpu.barrier barrier_id(%barrier3A_58)
    %mul3A_59 = arith.constant 640 : i32
    %mul3A_60 = arith.muli %arg1, %mul3A_59 : i32
    %add3A_61 = arith.constant 0 : i32
    %add3A_62 = arith.addi %mul3A_60, %add3A_61 : i32
    "tpu.region"() ({
      %run_scoped3A = tpu.sem_alloc : memref<!tpu.dma_semaphore, #tpu.memory_space<semaphore_mem>>
      %dma_start3A_79 = arith.constant 0 : i32
      %dma_start3A_80 = tpu.memref_slice %arg6[%add3A_62, %dma_start3A_79] : memref<10240x16xf32, #tpu.memory_space<vmem_shared>> -> memref<128x16xf32, #tpu.memory_space<vmem_shared>>
      %dma_start3A_81 = arith.constant 0 : i32
      %dma_start3A_82 = tpu.memref_slice %arg6[%add3A_62, %dma_start3A_81] : memref<10240x16xf32, #tpu.memory_space<vmem_shared>> -> memref<128x16xf32, #tpu.memory_space<vmem_shared>>
      tpu.enqueue_dma source(%dma_start3A_82 : memref<128x16xf32, #tpu.memory_space<vmem_shared>>) target(%arg5 : memref<128x16xf32, #tpu.memory_space<vmem>>) target_semaphore(%run_scoped3A : memref<!tpu.dma_semaphore, #tpu.memory_space<semaphore_mem>>)
      %dma_wait3A_83 = arith.constant 0 : i32
      %dma_wait3A_84 = tpu.memref_slice %arg6[%add3A_62, %dma_wait3A_83] : memref<10240x16xf32, #tpu.memory_space<vmem_shared>> -> memref<128x16xf32, #tpu.memory_space<vmem_shared>>
      %dma_wait3A_85 = arith.constant 0 : i32
      %dma_wait3A_86 = tpu.memref_slice %arg6[%add3A_62, %dma_wait3A_85] : memref<10240x16xf32, #tpu.memory_space<vmem_shared>> -> memref<128x16xf32, #tpu.memory_space<vmem_shared>>
      tpu.wait_dma2 semaphore(%run_scoped3A : memref<!tpu.dma_semaphore, #tpu.memory_space<semaphore_mem>>) src(%dma_wait3A_86 : memref<128x16xf32, #tpu.memory_space<vmem_shared>>) dst(%arg5 : memref<128x16xf32, #tpu.memory_space<vmem>>)
      tpu.yield
    }) : () -> ()
    "tpu.region"() ({
      %run_scoped3A = tpu.sem_alloc : memref<!tpu.dma_semaphore, #tpu.memory_space<semaphore_mem>>
      %dma_start3A_79 = arith.constant 0 : i32
      %dma_start3A_80 = tpu.memref_slice %arg3[%arg0, %add3A_62, %dma_start3A_79] : memref<2x10240x16xf32, #tpu.memory_space<hbm>> -> memref<1x128x16xf32, #tpu.memory_space<hbm>>
      %dma_start3A_81 = tpu.memref_squeeze %dma_start3A_80 : memref<1x128x16xf32, #tpu.memory_space<hbm>> -> memref<128x16xf32, #tpu.memory_space<hbm>>
      %dma_start3A_82 = arith.constant 0 : i32
      %dma_start3A_83 = tpu.memref_slice %arg3[%arg0, %add3A_62, %dma_start3A_82] : memref<2x10240x16xf32, #tpu.memory_space<hbm>> -> memref<1x128x16xf32, #tpu.memory_space<hbm>>
      %dma_start3A_84 = tpu.memref_squeeze %dma_start3A_83 : memref<1x128x16xf32, #tpu.memory_space<hbm>> -> memref<128x16xf32, #tpu.memory_space<hbm>>
      tpu.enqueue_dma source(%arg5 : memref<128x16xf32, #tpu.memory_space<vmem>>) target(%dma_start3A_84 : memref<128x16xf32, #tpu.memory_space<hbm>>) target_semaphore(%run_scoped3A : memref<!tpu.dma_semaphore, #tpu.memory_space<semaphore_mem>>)
      %dma_wait3A_85 = arith.constant 0 : i32
      %dma_wait3A_86 = tpu.memref_slice %arg3[%arg0, %add3A_62, %dma_wait3A_85] : memref<2x10240x16xf32, #tpu.memory_space<hbm>> -> memref<1x128x16xf32, #tpu.memory_space<hbm>>
      %dma_wait3A_87 = tpu.memref_squeeze %dma_wait3A_86 : memref<1x128x16xf32, #tpu.memory_space<hbm>> -> memref<128x16xf32, #tpu.memory_space<hbm>>
      %dma_wait3A_88 = arith.constant 0 : i32
      %dma_wait3A_89 = tpu.memref_slice %arg3[%arg0, %add3A_62, %dma_wait3A_88] : memref<2x10240x16xf32, #tpu.memory_space<hbm>> -> memref<1x128x16xf32, #tpu.memory_space<hbm>>
      %dma_wait3A_90 = tpu.memref_squeeze %dma_wait3A_89 : memref<1x128x16xf32, #tpu.memory_space<hbm>> -> memref<128x16xf32, #tpu.memory_space<hbm>>
      tpu.wait_dma2 semaphore(%run_scoped3A : memref<!tpu.dma_semaphore, #tpu.memory_space<semaphore_mem>>) src(%arg5 : memref<128x16xf32, #tpu.memory_space<vmem>>) dst(%dma_wait3A_90 : memref<128x16xf32, #tpu.memory_space<hbm>>)
      tpu.yield
    }) : () -> ()
    %mul3A_63 = arith.constant 640 : i32
    %mul3A_64 = arith.muli %arg1, %mul3A_63 : i32
    %add3A_65 = arith.constant 128 : i32
    %add3A_66 = arith.addi %mul3A_64, %add3A_65 : i32
    "tpu.region"() ({
      %run_scoped3A = tpu.sem_alloc : memref<!tpu.dma_semaphore, #tpu.memory_space<semaphore_mem>>
      %dma_start3A_79 = arith.constant 0 : i32
      %dma_start3A_80 = tpu.memref_slice %arg6[%add3A_66, %dma_start3A_79] : memref<10240x16xf32, #tpu.memory_space<vmem_shared>> -> memref<128x16xf32, #tpu.memory_space<vmem_shared>>
      %dma_start3A_81 = arith.constant 0 : i32
      %dma_start3A_82 = tpu.memref_slice %arg6[%add3A_66, %dma_start3A_81] : memref<10240x16xf32, #tpu.memory_space<vmem_shared>> -> memref<128x16xf32, #tpu.memory_space<vmem_shared>>
      tpu.enqueue_dma source(%dma_start3A_82 : memref<128x16xf32, #tpu.memory_space<vmem_shared>>) target(%arg5 : memref<128x16xf32, #tpu.memory_space<vmem>>) target_semaphore(%run_scoped3A : memref<!tpu.dma_semaphore, #tpu.memory_space<semaphore_mem>>)
      %dma_wait3A_83 = arith.constant 0 : i32
      %dma_wait3A_84 = tpu.memref_slice %arg6[%add3A_66, %dma_wait3A_83] : memref<10240x16xf32, #tpu.memory_space<vmem_shared>> -> memref<128x16xf32, #tpu.memory_space<vmem_shared>>
      %dma_wait3A_85 = arith.constant 0 : i32
      %dma_wait3A_86 = tpu.memref_slice %arg6[%add3A_66, %dma_wait3A_85] : memref<10240x16xf32, #tpu.memory_space<vmem_shared>> -> memref<128x16xf32, #tpu.memory_space<vmem_shared>>
      tpu.wait_dma2 semaphore(%run_scoped3A : memref<!tpu.dma_semaphore, #tpu.memory_space<semaphore_mem>>) src(%dma_wait3A_86 : memref<128x16xf32, #tpu.memory_space<vmem_shared>>) dst(%arg5 : memref<128x16xf32, #tpu.memory_space<vmem>>)
      tpu.yield
    }) : () -> ()
    "tpu.region"() ({
      %run_scoped3A = tpu.sem_alloc : memref<!tpu.dma_semaphore, #tpu.memory_space<semaphore_mem>>
      %dma_start3A_79 = arith.constant 0 : i32
      %dma_start3A_80 = tpu.memref_slice %arg3[%arg0, %add3A_66, %dma_start3A_79] : memref<2x10240x16xf32, #tpu.memory_space<hbm>> -> memref<1x128x16xf32, #tpu.memory_space<hbm>>
      %dma_start3A_81 = tpu.memref_squeeze %dma_start3A_80 : memref<1x128x16xf32, #tpu.memory_space<hbm>> -> memref<128x16xf32, #tpu.memory_space<hbm>>
      %dma_start3A_82 = arith.constant 0 : i32
      %dma_start3A_83 = tpu.memref_slice %arg3[%arg0, %add3A_66, %dma_start3A_82] : memref<2x10240x16xf32, #tpu.memory_space<hbm>> -> memref<1x128x16xf32, #tpu.memory_space<hbm>>
      %dma_start3A_84 = tpu.memref_squeeze %dma_start3A_83 : memref<1x128x16xf32, #tpu.memory_space<hbm>> -> memref<128x16xf32, #tpu.memory_space<hbm>>
      tpu.enqueue_dma source(%arg5 : memref<128x16xf32, #tpu.memory_space<vmem>>) target(%dma_start3A_84 : memref<128x16xf32, #tpu.memory_space<hbm>>) target_semaphore(%run_scoped3A : memref<!tpu.dma_semaphore, #tpu.memory_space<semaphore_mem>>)
      %dma_wait3A_85 = arith.constant 0 : i32
      %dma_wait3A_86 = tpu.memref_slice %arg3[%arg0, %add3A_66, %dma_wait3A_85] : memref<2x10240x16xf32, #tpu.memory_space<hbm>> -> memref<1x128x16xf32, #tpu.memory_space<hbm>>
      %dma_wait3A_87 = tpu.memref_squeeze %dma_wait3A_86 : memref<1x128x16xf32, #tpu.memory_space<hbm>> -> memref<128x16xf32, #tpu.memory_space<hbm>>
      %dma_wait3A_88 = arith.constant 0 : i32
      %dma_wait3A_89 = tpu.memref_slice %arg3[%arg0, %add3A_66, %dma_wait3A_88] : memref<2x10240x16xf32, #tpu.memory_space<hbm>> -> memref<1x128x16xf32, #tpu.memory_space<hbm>>
      %dma_wait3A_90 = tpu.memref_squeeze %dma_wait3A_89 : memref<1x128x16xf32, #tpu.memory_space<hbm>> -> memref<128x16xf32, #tpu.memory_space<hbm>>
      tpu.wait_dma2 semaphore(%run_scoped3A : memref<!tpu.dma_semaphore, #tpu.memory_space<semaphore_mem>>) src(%arg5 : memref<128x16xf32, #tpu.memory_space<vmem>>) dst(%dma_wait3A_90 : memref<128x16xf32, #tpu.memory_space<hbm>>)
      tpu.yield
    }) : () -> ()
    %mul3A_67 = arith.constant 640 : i32
    %mul3A_68 = arith.muli %arg1, %mul3A_67 : i32
    %add3A_69 = arith.constant 256 : i32
    %add3A_70 = arith.addi %mul3A_68, %add3A_69 : i32
    "tpu.region"() ({
      %run_scoped3A = tpu.sem_alloc : memref<!tpu.dma_semaphore, #tpu.memory_space<semaphore_mem>>
      %dma_start3A_79 = arith.constant 0 : i32
      %dma_start3A_80 = tpu.memref_slice %arg6[%add3A_70, %dma_start3A_79] : memref<10240x16xf32, #tpu.memory_space<vmem_shared>> -> memref<128x16xf32, #tpu.memory_space<vmem_shared>>
      %dma_start3A_81 = arith.constant 0 : i32
      %dma_start3A_82 = tpu.memref_slice %arg6[%add3A_70, %dma_start3A_81] : memref<10240x16xf32, #tpu.memory_space<vmem_shared>> -> memref<128x16xf32, #tpu.memory_space<vmem_shared>>
      tpu.enqueue_dma source(%dma_start3A_82 : memref<128x16xf32, #tpu.memory_space<vmem_shared>>) target(%arg5 : memref<128x16xf32, #tpu.memory_space<vmem>>) target_semaphore(%run_scoped3A : memref<!tpu.dma_semaphore, #tpu.memory_space<semaphore_mem>>)
      %dma_wait3A_83 = arith.constant 0 : i32
      %dma_wait3A_84 = tpu.memref_slice %arg6[%add3A_70, %dma_wait3A_83] : memref<10240x16xf32, #tpu.memory_space<vmem_shared>> -> memref<128x16xf32, #tpu.memory_space<vmem_shared>>
      %dma_wait3A_85 = arith.constant 0 : i32
      %dma_wait3A_86 = tpu.memref_slice %arg6[%add3A_70, %dma_wait3A_85] : memref<10240x16xf32, #tpu.memory_space<vmem_shared>> -> memref<128x16xf32, #tpu.memory_space<vmem_shared>>
      tpu.wait_dma2 semaphore(%run_scoped3A : memref<!tpu.dma_semaphore, #tpu.memory_space<semaphore_mem>>) src(%dma_wait3A_86 : memref<128x16xf32, #tpu.memory_space<vmem_shared>>) dst(%arg5 : memref<128x16xf32, #tpu.memory_space<vmem>>)
      tpu.yield
    }) : () -> ()
    "tpu.region"() ({
      %run_scoped3A = tpu.sem_alloc : memref<!tpu.dma_semaphore, #tpu.memory_space<semaphore_mem>>
      %dma_start3A_79 = arith.constant 0 : i32
      %dma_start3A_80 = tpu.memref_slice %arg3[%arg0, %add3A_70, %dma_start3A_79] : memref<2x10240x16xf32, #tpu.memory_space<hbm>> -> memref<1x128x16xf32, #tpu.memory_space<hbm>>
      %dma_start3A_81 = tpu.memref_squeeze %dma_start3A_80 : memref<1x128x16xf32, #tpu.memory_space<hbm>> -> memref<128x16xf32, #tpu.memory_space<hbm>>
      %dma_start3A_82 = arith.constant 0 : i32
      %dma_start3A_83 = tpu.memref_slice %arg3[%arg0, %add3A_70, %dma_start3A_82] : memref<2x10240x16xf32, #tpu.memory_space<hbm>> -> memref<1x128x16xf32, #tpu.memory_space<hbm>>
      %dma_start3A_84 = tpu.memref_squeeze %dma_start3A_83 : memref<1x128x16xf32, #tpu.memory_space<hbm>> -> memref<128x16xf32, #tpu.memory_space<hbm>>
      tpu.enqueue_dma source(%arg5 : memref<128x16xf32, #tpu.memory_space<vmem>>) target(%dma_start3A_84 : memref<128x16xf32, #tpu.memory_space<hbm>>) target_semaphore(%run_scoped3A : memref<!tpu.dma_semaphore, #tpu.memory_space<semaphore_mem>>)
      %dma_wait3A_85 = arith.constant 0 : i32
      %dma_wait3A_86 = tpu.memref_slice %arg3[%arg0, %add3A_70, %dma_wait3A_85] : memref<2x10240x16xf32, #tpu.memory_space<hbm>> -> memref<1x128x16xf32, #tpu.memory_space<hbm>>
      %dma_wait3A_87 = tpu.memref_squeeze %dma_wait3A_86 : memref<1x128x16xf32, #tpu.memory_space<hbm>> -> memref<128x16xf32, #tpu.memory_space<hbm>>
      %dma_wait3A_88 = arith.constant 0 : i32
      %dma_wait3A_89 = tpu.memref_slice %arg3[%arg0, %add3A_70, %dma_wait3A_88] : memref<2x10240x16xf32, #tpu.memory_space<hbm>> -> memref<1x128x16xf32, #tpu.memory_space<hbm>>
      %dma_wait3A_90 = tpu.memref_squeeze %dma_wait3A_89 : memref<1x128x16xf32, #tpu.memory_space<hbm>> -> memref<128x16xf32, #tpu.memory_space<hbm>>
      tpu.wait_dma2 semaphore(%run_scoped3A : memref<!tpu.dma_semaphore, #tpu.memory_space<semaphore_mem>>) src(%arg5 : memref<128x16xf32, #tpu.memory_space<vmem>>) dst(%dma_wait3A_90 : memref<128x16xf32, #tpu.memory_space<hbm>>)
      tpu.yield
    }) : () -> ()
    %mul3A_71 = arith.constant 640 : i32
    %mul3A_72 = arith.muli %arg1, %mul3A_71 : i32
    %add3A_73 = arith.constant 384 : i32
    %add3A_74 = arith.addi %mul3A_72, %add3A_73 : i32
    "tpu.region"() ({
      %run_scoped3A = tpu.sem_alloc : memref<!tpu.dma_semaphore, #tpu.memory_space<semaphore_mem>>
      %dma_start3A_79 = arith.constant 0 : i32
      %dma_start3A_80 = tpu.memref_slice %arg6[%add3A_74, %dma_start3A_79] : memref<10240x16xf32, #tpu.memory_space<vmem_shared>> -> memref<128x16xf32, #tpu.memory_space<vmem_shared>>
      %dma_start3A_81 = arith.constant 0 : i32
      %dma_start3A_82 = tpu.memref_slice %arg6[%add3A_74, %dma_start3A_81] : memref<10240x16xf32, #tpu.memory_space<vmem_shared>> -> memref<128x16xf32, #tpu.memory_space<vmem_shared>>
      tpu.enqueue_dma source(%dma_start3A_82 : memref<128x16xf32, #tpu.memory_space<vmem_shared>>) target(%arg5 : memref<128x16xf32, #tpu.memory_space<vmem>>) target_semaphore(%run_scoped3A : memref<!tpu.dma_semaphore, #tpu.memory_space<semaphore_mem>>)
      %dma_wait3A_83 = arith.constant 0 : i32
      %dma_wait3A_84 = tpu.memref_slice %arg6[%add3A_74, %dma_wait3A_83] : memref<10240x16xf32, #tpu.memory_space<vmem_shared>> -> memref<128x16xf32, #tpu.memory_space<vmem_shared>>
      %dma_wait3A_85 = arith.constant 0 : i32
      %dma_wait3A_86 = tpu.memref_slice %arg6[%add3A_74, %dma_wait3A_85] : memref<10240x16xf32, #tpu.memory_space<vmem_shared>> -> memref<128x16xf32, #tpu.memory_space<vmem_shared>>
      tpu.wait_dma2 semaphore(%run_scoped3A : memref<!tpu.dma_semaphore, #tpu.memory_space<semaphore_mem>>) src(%dma_wait3A_86 : memref<128x16xf32, #tpu.memory_space<vmem_shared>>) dst(%arg5 : memref<128x16xf32, #tpu.memory_space<vmem>>)
      tpu.yield
    }) : () -> ()
    "tpu.region"() ({
      %run_scoped3A = tpu.sem_alloc : memref<!tpu.dma_semaphore, #tpu.memory_space<semaphore_mem>>
      %dma_start3A_79 = arith.constant 0 : i32
      %dma_start3A_80 = tpu.memref_slice %arg3[%arg0, %add3A_74, %dma_start3A_79] : memref<2x10240x16xf32, #tpu.memory_space<hbm>> -> memref<1x128x16xf32, #tpu.memory_space<hbm>>
      %dma_start3A_81 = tpu.memref_squeeze %dma_start3A_80 : memref<1x128x16xf32, #tpu.memory_space<hbm>> -> memref<128x16xf32, #tpu.memory_space<hbm>>
      %dma_start3A_82 = arith.constant 0 : i32
      %dma_start3A_83 = tpu.memref_slice %arg3[%arg0, %add3A_74, %dma_start3A_82] : memref<2x10240x16xf32, #tpu.memory_space<hbm>> -> memref<1x128x16xf32, #tpu.memory_space<hbm>>
      %dma_start3A_84 = tpu.memref_squeeze %dma_start3A_83 : memref<1x128x16xf32, #tpu.memory_space<hbm>> -> memref<128x16xf32, #tpu.memory_space<hbm>>
      tpu.enqueue_dma source(%arg5 : memref<128x16xf32, #tpu.memory_space<vmem>>) target(%dma_start3A_84 : memref<128x16xf32, #tpu.memory_space<hbm>>) target_semaphore(%run_scoped3A : memref<!tpu.dma_semaphore, #tpu.memory_space<semaphore_mem>>)
      %dma_wait3A_85 = arith.constant 0 : i32
      %dma_wait3A_86 = tpu.memref_slice %arg3[%arg0, %add3A_74, %dma_wait3A_85] : memref<2x10240x16xf32, #tpu.memory_space<hbm>> -> memref<1x128x16xf32, #tpu.memory_space<hbm>>
      %dma_wait3A_87 = tpu.memref_squeeze %dma_wait3A_86 : memref<1x128x16xf32, #tpu.memory_space<hbm>> -> memref<128x16xf32, #tpu.memory_space<hbm>>
      %dma_wait3A_88 = arith.constant 0 : i32
      %dma_wait3A_89 = tpu.memref_slice %arg3[%arg0, %add3A_74, %dma_wait3A_88] : memref<2x10240x16xf32, #tpu.memory_space<hbm>> -> memref<1x128x16xf32, #tpu.memory_space<hbm>>
      %dma_wait3A_90 = tpu.memref_squeeze %dma_wait3A_89 : memref<1x128x16xf32, #tpu.memory_space<hbm>> -> memref<128x16xf32, #tpu.memory_space<hbm>>
      tpu.wait_dma2 semaphore(%run_scoped3A : memref<!tpu.dma_semaphore, #tpu.memory_space<semaphore_mem>>) src(%arg5 : memref<128x16xf32, #tpu.memory_space<vmem>>) dst(%dma_wait3A_90 : memref<128x16xf32, #tpu.memory_space<hbm>>)
      tpu.yield
    }) : () -> ()
    %mul3A_75 = arith.constant 640 : i32
    %mul3A_76 = arith.muli %arg1, %mul3A_75 : i32
    %add3A_77 = arith.constant 512 : i32
    %add3A_78 = arith.addi %mul3A_76, %add3A_77 : i32
    "tpu.region"() ({
      %run_scoped3A = tpu.sem_alloc : memref<!tpu.dma_semaphore, #tpu.memory_space<semaphore_mem>>
      %dma_start3A_79 = arith.constant 0 : i32
      %dma_start3A_80 = tpu.memref_slice %arg6[%add3A_78, %dma_start3A_79] : memref<10240x16xf32, #tpu.memory_space<vmem_shared>> -> memref<128x16xf32, #tpu.memory_space<vmem_shared>>
      %dma_start3A_81 = arith.constant 0 : i32
      %dma_start3A_82 = tpu.memref_slice %arg6[%add3A_78, %dma_start3A_81] : memref<10240x16xf32, #tpu.memory_space<vmem_shared>> -> memref<128x16xf32, #tpu.memory_space<vmem_shared>>
      tpu.enqueue_dma source(%dma_start3A_82 : memref<128x16xf32, #tpu.memory_space<vmem_shared>>) target(%arg5 : memref<128x16xf32, #tpu.memory_space<vmem>>) target_semaphore(%run_scoped3A : memref<!tpu.dma_semaphore, #tpu.memory_space<semaphore_mem>>)
      %dma_wait3A_83 = arith.constant 0 : i32
      %dma_wait3A_84 = tpu.memref_slice %arg6[%add3A_78, %dma_wait3A_83] : memref<10240x16xf32, #tpu.memory_space<vmem_shared>> -> memref<128x16xf32, #tpu.memory_space<vmem_shared>>
      %dma_wait3A_85 = arith.constant 0 : i32
      %dma_wait3A_86 = tpu.memref_slice %arg6[%add3A_78, %dma_wait3A_85] : memref<10240x16xf32, #tpu.memory_space<vmem_shared>> -> memref<128x16xf32, #tpu.memory_space<vmem_shared>>
      tpu.wait_dma2 semaphore(%run_scoped3A : memref<!tpu.dma_semaphore, #tpu.memory_space<semaphore_mem>>) src(%dma_wait3A_86 : memref<128x16xf32, #tpu.memory_space<vmem_shared>>) dst(%arg5 : memref<128x16xf32, #tpu.memory_space<vmem>>)
      tpu.yield
    }) : () -> ()
    "tpu.region"() ({
      %run_scoped3A = tpu.sem_alloc : memref<!tpu.dma_semaphore, #tpu.memory_space<semaphore_mem>>
      %dma_start3A_79 = arith.constant 0 : i32
      %dma_start3A_80 = tpu.memref_slice %arg3[%arg0, %add3A_78, %dma_start3A_79] : memref<2x10240x16xf32, #tpu.memory_space<hbm>> -> memref<1x128x16xf32, #tpu.memory_space<hbm>>
      %dma_start3A_81 = tpu.memref_squeeze %dma_start3A_80 : memref<1x128x16xf32, #tpu.memory_space<hbm>> -> memref<128x16xf32, #tpu.memory_space<hbm>>
      %dma_start3A_82 = arith.constant 0 : i32
      %dma_start3A_83 = tpu.memref_slice %arg3[%arg0, %add3A_78, %dma_start3A_82] : memref<2x10240x16xf32, #tpu.memory_space<hbm>> -> memref<1x128x16xf32, #tpu.memory_space<hbm>>
      %dma_start3A_84 = tpu.memref_squeeze %dma_start3A_83 : memref<1x128x16xf32, #tpu.memory_space<hbm>> -> memref<128x16xf32, #tpu.memory_space<hbm>>
      tpu.enqueue_dma source(%arg5 : memref<128x16xf32, #tpu.memory_space<vmem>>) target(%dma_start3A_84 : memref<128x16xf32, #tpu.memory_space<hbm>>) target_semaphore(%run_scoped3A : memref<!tpu.dma_semaphore, #tpu.memory_space<semaphore_mem>>)
      %dma_wait3A_85 = arith.constant 0 : i32
      %dma_wait3A_86 = tpu.memref_slice %arg3[%arg0, %add3A_78, %dma_wait3A_85] : memref<2x10240x16xf32, #tpu.memory_space<hbm>> -> memref<1x128x16xf32, #tpu.memory_space<hbm>>
      %dma_wait3A_87 = tpu.memref_squeeze %dma_wait3A_86 : memref<1x128x16xf32, #tpu.memory_space<hbm>> -> memref<128x16xf32, #tpu.memory_space<hbm>>
      %dma_wait3A_88 = arith.constant 0 : i32
      %dma_wait3A_89 = tpu.memref_slice %arg3[%arg0, %add3A_78, %dma_wait3A_88] : memref<2x10240x16xf32, #tpu.memory_space<hbm>> -> memref<1x128x16xf32, #tpu.memory_space<hbm>>
      %dma_wait3A_90 = tpu.memref_squeeze %dma_wait3A_89 : memref<1x128x16xf32, #tpu.memory_space<hbm>> -> memref<128x16xf32, #tpu.memory_space<hbm>>
      tpu.wait_dma2 semaphore(%run_scoped3A : memref<!tpu.dma_semaphore, #tpu.memory_space<semaphore_mem>>) src(%arg5 : memref<128x16xf32, #tpu.memory_space<vmem>>) dst(%dma_wait3A_90 : memref<128x16xf32, #tpu.memory_space<hbm>>)
      tpu.yield
    }) : () -> ()
    return
  }
}

module attributes {stable_mosaic.version = 14 : i64} {
  func.func @_prep_body(%arg0: i32, %arg1: memref<2x1000x16xf32, #tpu.memory_space<vmem>>, %arg2: memref<1000x128xf32, #tpu.memory_space<vmem>>, %arg3: memref<1000x1xf32, #tpu.memory_space<vmem>>, %arg4: memref<1000x128xf32, #tpu.memory_space<vmem>>) attributes {dimension_semantics = [#tpu.dimension_semantics<arbitrary>], iteration_bounds = array<i64: 10>, scalar_prefetch = 0 : i64, scratch_operands = 0 : i64, tpu.core_type = #tpu.core_type<tc>, window_params = [{transform_indices = @transform_0, window_bounds = array<i64: 2, 1000, 16>}, {transform_indices = @transform_1, window_bounds = array<i64: 1000, 128>}, {transform_indices = @transform_2, window_bounds = array<i64: 1000, 1>}, {transform_indices = @transform_3, window_bounds = array<i64: 1000, 128>}]} {
    %get3A = arith.constant 0 : index
    %get3A_0 = arith.constant 0 : index
    %get3A_1 = arith.constant 0 : index
    %get3A_2 = vector.load %arg1[%get3A, %get3A_0, %get3A_1] : memref<2x1000x16xf32, #tpu.memory_space<vmem>>, vector<2x1000x16xf32>
    %reduce_sum3A = arith.constant dense<0.000000e+00> : vector<1000x16xf32>
    %reduce_sum3A_3 = vector.multi_reduction <add>, %get3A_2, %reduce_sum3A [0] : vector<2x1000x16xf32> to vector<1000x16xf32>
    %slice3A = vector.extract_strided_slice %reduce_sum3A_3 {offsets = [0, 0], sizes = [1000, 1], strides = [1, 1]} : vector<1000x16xf32> to vector<1000x1xf32>
    %add3A = arith.constant 1.000000e+00 : f32
    %add3A_4 = vector.broadcast %add3A : f32 to vector<1000x1xf32>
    %add3A_5 = arith.addf %slice3A, %add3A_4 : vector<1000x1xf32>
    %rsqrt3A = math.rsqrt %add3A_5 : vector<1000x1xf32>
    %swap3A = arith.constant 0 : index
    %swap3A_6 = arith.constant 0 : index
    %swap3A_7 = vector.load %arg3[%swap3A, %swap3A_6] : memref<1000x1xf32, #tpu.memory_space<vmem>>, vector<1000x1xf32>
    tpu.vector_store %arg3[%swap3A, %swap3A_6], %rsqrt3A {strides = array<i32>} : memref<1000x1xf32, #tpu.memory_space<vmem>>, vector<1000x1xf32>,
    %get3A_8 = arith.constant 0 : index
    %get3A_9 = arith.constant 0 : index
    %get3A_10 = vector.load %arg2[%get3A_8, %get3A_9] : memref<1000x128xf32, #tpu.memory_space<vmem>>, vector<1000x128xf32>
    %mul3A = vector.broadcast %rsqrt3A : vector<1000x1xf32> to vector<1000x128xf32>
    %mul3A_11 = arith.mulf %get3A_10, %mul3A : vector<1000x128xf32>
    %swap3A_12 = arith.constant 0 : index
    %swap3A_13 = arith.constant 0 : index
    %swap3A_14 = vector.load %arg4[%swap3A_12, %swap3A_13] : memref<1000x128xf32, #tpu.memory_space<vmem>>, vector<1000x128xf32>
    tpu.vector_store %arg4[%swap3A_12, %swap3A_13], %mul3A_11 {strides = array<i32>} : memref<1000x128xf32, #tpu.memory_space<vmem>>, vector<1000x128xf32>,
    return
  }
  func.func @transform_0(%arg0: i32) -> (i32, i32, i32) {
    %c0_i32 = arith.constant 0 : i32
    %c0_i32_0 = arith.constant 0 : i32
    %c0_i32_1 = arith.constant 0 : i32
    return %c0_i32, %arg0, %c0_i32_0 : i32, i32, i32
  }
  func.func @transform_1(%arg0: i32) -> (i32, i32) {
    %c0_i32 = arith.constant 0 : i32
    %c0_i32_0 = arith.constant 0 : i32
    return %arg0, %c0_i32 : i32, i32
  }
  func.func @transform_2(%arg0: i32) -> (i32, i32) {
    %c0_i32 = arith.constant 0 : i32
    %c0_i32_0 = arith.constant 0 : i32
    return %arg0, %c0_i32 : i32, i32
  }
  func.func @transform_3(%arg0: i32) -> (i32, i32) {
    %c0_i32 = arith.constant 0 : i32
    %c0_i32_0 = arith.constant 0 : i32
    return %arg0, %c0_i32 : i32, i32
  }
}

module attributes {stable_mosaic.version = 14 : i64} {
  func.func @_layer1_body(%arg0: i32, %arg1: memref<1000x128xf32, #tpu.memory_space<vmem>>, %arg2: memref<1000x128xf32, #tpu.memory_space<vmem>>, %arg3: memref<1000x1xf32, #tpu.memory_space<vmem>>, %arg4: memref<1000x128xf32, #tpu.memory_space<vmem>>, %arg5: memref<128x128xf32, #tpu.memory_space<vmem>>, %arg6: memref<1x128xf32, #tpu.memory_space<vmem>>, %arg7: memref<128x128xf32, #tpu.memory_space<vmem>>, %arg8: memref<1000x128xf32, #tpu.memory_space<vmem>>, %arg9: memref<1000x128xf32, #tpu.memory_space<vmem>>) attributes {dimension_semantics = [#tpu.dimension_semantics<arbitrary>], iteration_bounds = array<i64: 10>, scalar_prefetch = 0 : i64, scratch_operands = 0 : i64, tpu.core_type = #tpu.core_type<tc>, window_params = [{transform_indices = @transform_0, window_bounds = array<i64: 1000, 128>}, {transform_indices = @transform_1, window_bounds = array<i64: 1000, 128>}, {transform_indices = @transform_2, window_bounds = array<i64: 1000, 1>}, {transform_indices = @transform_3, window_bounds = array<i64: 1000, 128>}, {pipeline_mode = #tpu.pipeline_mode<synchronous>, transform_indices = @transform_4, window_bounds = array<i64: 128, 128>}, {pipeline_mode = #tpu.pipeline_mode<synchronous>, transform_indices = @transform_5, window_bounds = array<i64: 1, 128>}, {pipeline_mode = #tpu.pipeline_mode<synchronous>, transform_indices = @transform_6, window_bounds = array<i64: 128, 128>}, {transform_indices = @transform_7, window_bounds = array<i64: 1000, 128>}, {transform_indices = @transform_8, window_bounds = array<i64: 1000, 128>}]} {
    %get3A = arith.constant 0 : index
    %get3A_0 = arith.constant 0 : index
    %get3A_1 = vector.load %arg3[%get3A, %get3A_0] : memref<1000x1xf32, #tpu.memory_space<vmem>>, vector<1000x1xf32>
    %get3A_2 = arith.constant 0 : index
    %get3A_3 = arith.constant 0 : index
    %get3A_4 = vector.load %arg1[%get3A_2, %get3A_3] : memref<1000x128xf32, #tpu.memory_space<vmem>>, vector<1000x128xf32>
    %get3A_5 = arith.constant 0 : index
    %get3A_6 = arith.constant 0 : index
    %get3A_7 = vector.load %arg2[%get3A_5, %get3A_6] : memref<1000x128xf32, #tpu.memory_space<vmem>>, vector<1000x128xf32>
    %add3A = arith.addf %get3A_4, %get3A_7 : vector<1000x128xf32>
    %mul3A = vector.broadcast %get3A_1 : vector<1000x1xf32> to vector<1000x128xf32>
    %mul3A_8 = arith.mulf %mul3A, %add3A : vector<1000x128xf32>
    %mul3A_9 = arith.mulf %get3A_1, %get3A_1 : vector<1000x1xf32>
    %get3A_10 = arith.constant 0 : index
    %get3A_11 = arith.constant 0 : index
    %get3A_12 = vector.load %arg4[%get3A_10, %get3A_11] : memref<1000x128xf32, #tpu.memory_space<vmem>>, vector<1000x128xf32>
    %mul3A_13 = vector.broadcast %mul3A_9 : vector<1000x1xf32> to vector<1000x128xf32>
    %mul3A_14 = arith.mulf %mul3A_13, %get3A_12 : vector<1000x128xf32>
    %add3A_15 = arith.addf %mul3A_8, %mul3A_14 : vector<1000x128xf32>
    %get3A_16 = arith.constant 0 : index
    %get3A_17 = arith.constant 0 : index
    %get3A_18 = vector.load %arg5[%get3A_16, %get3A_17] : memref<128x128xf32, #tpu.memory_space<vmem>>, vector<128x128xf32>
    %dot_general3A = arith.constant dense<0.000000e+00> : vector<1000x128xf32>
    %dot_general3A_19 = tpu.matmul %add3A_15, %get3A_18, %dot_general3A {dimension_numbers = #tpu.dot_dimension_numbers<[1], [0], [0], [1], [0, 0, 1, 1], [], []>, transpose_lhs_hint = false} : vector<1000x128xf32>, vector<128x128xf32>, vector<1000x128xf32> -> vector<1000x128xf32>
    %get3A_20 = arith.constant 0 : index
    %get3A_21 = arith.constant 0 : index
    %get3A_22 = vector.load %arg6[%get3A_20, %get3A_21] : memref<1x128xf32, #tpu.memory_space<vmem>>, vector<1x128xf32>
    %add3A_23 = vector.broadcast %get3A_22 : vector<1x128xf32> to vector<1000x128xf32>
    %add3A_24 = arith.addf %dot_general3A_19, %add3A_23 : vector<1000x128xf32>
    %max3A = arith.constant 0.000000e+00 : f32
    %max3A_25 = vector.broadcast %max3A : f32 to vector<1000x128xf32>
    %max3A_26 = arith.maximumf %add3A_24, %max3A_25 : vector<1000x128xf32>
    %get3A_27 = arith.constant 0 : index
    %get3A_28 = arith.constant 0 : index
    %get3A_29 = vector.load %arg7[%get3A_27, %get3A_28] : memref<128x128xf32, #tpu.memory_space<vmem>>, vector<128x128xf32>
    %dot_general3A_30 = arith.constant dense<0.000000e+00> : vector<1000x128xf32>
    %dot_general3A_31 = tpu.matmul %max3A_26, %get3A_29, %dot_general3A_30 {dimension_numbers = #tpu.dot_dimension_numbers<[1], [0], [0], [1], [0, 0, 1, 1], [], []>, transpose_lhs_hint = false} : vector<1000x128xf32>, vector<128x128xf32>, vector<1000x128xf32> -> vector<1000x128xf32>
    %swap3A = arith.constant 0 : index
    %swap3A_32 = arith.constant 0 : index
    %swap3A_33 = vector.load %arg8[%swap3A, %swap3A_32] : memref<1000x128xf32, #tpu.memory_space<vmem>>, vector<1000x128xf32>
    tpu.vector_store %arg8[%swap3A, %swap3A_32], %dot_general3A_31 {strides = array<i32>} : memref<1000x128xf32, #tpu.memory_space<vmem>>, vector<1000x128xf32>,
    %mul3A_34 = vector.broadcast %get3A_1 : vector<1000x1xf32> to vector<1000x128xf32>
    %mul3A_35 = arith.mulf %dot_general3A_31, %mul3A_34 : vector<1000x128xf32>
    %swap3A_36 = arith.constant 0 : index
    %swap3A_37 = arith.constant 0 : index
    %swap3A_38 = vector.load %arg9[%swap3A_36, %swap3A_37] : memref<1000x128xf32, #tpu.memory_space<vmem>>, vector<1000x128xf32>
    tpu.vector_store %arg9[%swap3A_36, %swap3A_37], %mul3A_35 {strides = array<i32>} : memref<1000x128xf32, #tpu.memory_space<vmem>>, vector<1000x128xf32>,
    return
  }
  func.func @transform_0(%arg0: i32) -> (i32, i32) {
    %c0_i32 = arith.constant 0 : i32
    %c0_i32_0 = arith.constant 0 : i32
    return %arg0, %c0_i32 : i32, i32
  }
  func.func @transform_1(%arg0: i32) -> (i32, i32) {
    %c0_i32 = arith.constant 0 : i32
    %c0_i32_0 = arith.constant 0 : i32
    return %arg0, %c0_i32 : i32, i32
  }
  func.func @transform_2(%arg0: i32) -> (i32, i32) {
    %c0_i32 = arith.constant 0 : i32
    %c0_i32_0 = arith.constant 0 : i32
    return %arg0, %c0_i32 : i32, i32
  }
  func.func @transform_3(%arg0: i32) -> (i32, i32) {
    %c0_i32 = arith.constant 0 : i32
    %c0_i32_0 = arith.constant 0 : i32
    return %arg0, %c0_i32 : i32, i32
  }
  func.func @transform_4(%arg0: i32) -> (i32, i32) {
    %c0_i32 = arith.constant 0 : i32
    %c0_i32_0 = arith.constant 0 : i32
    %c0_i32_1 = arith.constant 0 : i32
    return %c0_i32, %c0_i32_0 : i32, i32
  }
  func.func @transform_5(%arg0: i32) -> (i32, i32) {
    %c0_i32 = arith.constant 0 : i32
    %c0_i32_0 = arith.constant 0 : i32
    %c0_i32_1 = arith.constant 0 : i32
    return %c0_i32, %c0_i32_0 : i32, i32
  }
  func.func @transform_6(%arg0: i32) -> (i32, i32) {
    %c0_i32 = arith.constant 0 : i32
    %c0_i32_0 = arith.constant 0 : i32
    %c0_i32_1 = arith.constant 0 : i32
    return %c0_i32, %c0_i32_0 : i32, i32
  }
  func.func @transform_7(%arg0: i32) -> (i32, i32) {
    %c0_i32 = arith.constant 0 : i32
    %c0_i32_0 = arith.constant 0 : i32
    return %arg0, %c0_i32 : i32, i32
  }
  func.func @transform_8(%arg0: i32) -> (i32, i32) {
    %c0_i32 = arith.constant 0 : i32
    %c0_i32_0 = arith.constant 0 : i32
    return %arg0, %c0_i32 : i32, i32
  }
}

module attributes {stable_mosaic.version = 14 : i64} {
  func.func @_final_body(%arg0: i32, %arg1: memref<1000x128xf32, #tpu.memory_space<vmem>>, %arg2: memref<1000x128xf32, #tpu.memory_space<vmem>>, %arg3: memref<1000x1xf32, #tpu.memory_space<vmem>>, %arg4: memref<1000x128xf32, #tpu.memory_space<vmem>>, %arg5: memref<1x128xf32, #tpu.memory_space<vmem>>, %arg6: memref<1000x128xf32, #tpu.memory_space<vmem>>) attributes {dimension_semantics = [#tpu.dimension_semantics<arbitrary>], iteration_bounds = array<i64: 10>, scalar_prefetch = 0 : i64, scratch_operands = 0 : i64, tpu.core_type = #tpu.core_type<tc>, window_params = [{transform_indices = @transform_0, window_bounds = array<i64: 1000, 128>}, {transform_indices = @transform_1, window_bounds = array<i64: 1000, 128>}, {transform_indices = @transform_2, window_bounds = array<i64: 1000, 1>}, {transform_indices = @transform_3, window_bounds = array<i64: 1000, 128>}, {pipeline_mode = #tpu.pipeline_mode<synchronous>, transform_indices = @transform_4, window_bounds = array<i64: 1, 128>}, {transform_indices = @transform_5, window_bounds = array<i64: 1000, 128>}]} {
    %get3A = arith.constant 0 : index
    %get3A_0 = arith.constant 0 : index
    %get3A_1 = vector.load %arg3[%get3A, %get3A_0] : memref<1000x1xf32, #tpu.memory_space<vmem>>, vector<1000x1xf32>
    %get3A_2 = arith.constant 0 : index
    %get3A_3 = arith.constant 0 : index
    %get3A_4 = vector.load %arg1[%get3A_2, %get3A_3] : memref<1000x128xf32, #tpu.memory_space<vmem>>, vector<1000x128xf32>
    %get3A_5 = arith.constant 0 : index
    %get3A_6 = arith.constant 0 : index
    %get3A_7 = vector.load %arg2[%get3A_5, %get3A_6] : memref<1000x128xf32, #tpu.memory_space<vmem>>, vector<1000x128xf32>
    %add3A = arith.addf %get3A_4, %get3A_7 : vector<1000x128xf32>
    %mul3A = vector.broadcast %get3A_1 : vector<1000x1xf32> to vector<1000x128xf32>
    %mul3A_8 = arith.mulf %mul3A, %add3A : vector<1000x128xf32>
    %mul3A_9 = arith.mulf %get3A_1, %get3A_1 : vector<1000x1xf32>
    %get3A_10 = arith.constant 0 : index
    %get3A_11 = arith.constant 0 : index
    %get3A_12 = vector.load %arg4[%get3A_10, %get3A_11] : memref<1000x128xf32, #tpu.memory_space<vmem>>, vector<1000x128xf32>
    %mul3A_13 = vector.broadcast %mul3A_9 : vector<1000x1xf32> to vector<1000x128xf32>
    %mul3A_14 = arith.mulf %mul3A_13, %get3A_12 : vector<1000x128xf32>
    %add3A_15 = arith.addf %mul3A_8, %mul3A_14 : vector<1000x128xf32>
    %get3A_16 = arith.constant 0 : index
    %get3A_17 = arith.constant 0 : index
    %get3A_18 = vector.load %arg5[%get3A_16, %get3A_17] : memref<1x128xf32, #tpu.memory_space<vmem>>, vector<1x128xf32>
    %add3A_19 = vector.broadcast %get3A_18 : vector<1x128xf32> to vector<1000x128xf32>
    %add3A_20 = arith.addf %add3A_15, %add3A_19 : vector<1000x128xf32>
    %swap3A = arith.constant 0 : index
    %swap3A_21 = arith.constant 0 : index
    %swap3A_22 = vector.load %arg6[%swap3A, %swap3A_21] : memref<1000x128xf32, #tpu.memory_space<vmem>>, vector<1000x128xf32>
    tpu.vector_store %arg6[%swap3A, %swap3A_21], %add3A_20 {strides = array<i32>} : memref<1000x128xf32, #tpu.memory_space<vmem>>, vector<1000x128xf32>,
    return
  }
  func.func @transform_0(%arg0: i32) -> (i32, i32) {
    %c0_i32 = arith.constant 0 : i32
    %c0_i32_0 = arith.constant 0 : i32
    return %arg0, %c0_i32 : i32, i32
  }
  func.func @transform_1(%arg0: i32) -> (i32, i32) {
    %c0_i32 = arith.constant 0 : i32
    %c0_i32_0 = arith.constant 0 : i32
    return %arg0, %c0_i32 : i32, i32
  }
  func.func @transform_2(%arg0: i32) -> (i32, i32) {
    %c0_i32 = arith.constant 0 : i32
    %c0_i32_0 = arith.constant 0 : i32
    return %arg0, %c0_i32 : i32, i32
  }
  func.func @transform_3(%arg0: i32) -> (i32, i32) {
    %c0_i32 = arith.constant 0 : i32
    %c0_i32_0 = arith.constant 0 : i32
    return %arg0, %c0_i32 : i32, i32
  }
  func.func @transform_4(%arg0: i32) -> (i32, i32) {
    %c0_i32 = arith.constant 0 : i32
    %c0_i32_0 = arith.constant 0 : i32
    %c0_i32_1 = arith.constant 0 : i32
    return %c0_i32, %c0_i32_0 : i32, i32
  }
  func.func @transform_5(%arg0: i32) -> (i32, i32) {
    %c0_i32 = arith.constant 0 : i32
    %c0_i32_0 = arith.constant 0 : i32
    return %arg0, %c0_i32 : i32, i32
  }
}

</mosaic_0001>

<sc_bundles>
// kernel: kernel.11.cloned.1.call-start
scs
__scs_entry_jumppad:
0x0: {  	(pc) =	sbr.rel $0x88, $3  }
0x1: {  	(tag) =	ssettag $0x0;
	lr =	simm.s32 $0x1  }
0x2: {  	[smem:$0x3F9B] =	sst lr;
	_ =	strace $0xD0000000  }
0x3: {  	_ = 	snop  }
0x4: {  	_ = 	snop  }
0x5: {  	_ = 	snop  }
0x6: {  	_ = 	snop  }
0x7: {  	_ = 	snop  }
__scs_overlays_trampoline_lowered:
0x8: {  	[smem:$0x3FAA] =	sst s0  }
0x9: {  	[smem:$0x3FAB] =	sst s1  }
0xa: {  	[smem:$0x3FAC] =	sst s2  }
0xb: {  	[smem:$0x3FAD] =	sst s3  }
0xc: {  	[smem:$0x3FAE] =	sst s4  }
0xd: {  	[smem:$0x3FAF] =	sst s5  }
0xe: {  	[smem:$0x3FB0] =	sst s6  }
0xf: {  	[smem:$0x3FB1] =	sst s7  }
0x10: {  	[smem:$0x3FB2] =	sst s8  }
0x11: {  	[smem:$0x3FB3] =	sst s9;
	s0 =	simm.s32 @!p0 $0x0  }
0x12: {  	s1 =	sld [smem:$0x3F99];
	s0 =	simm.s32 @p0 $0x1  }
0x13: {  	[smem:$0x3FB4] =	sst s0;
	s0 =	simm.s32 @!p1 $0x0  }
0x14: {  	s2 =	sld [smem:$0x3F98];
	s0 =	simm.s32 @p1 $0x1  }
0x15: {  	[smem:$0x3FB5] =	sst s0;
	s0 =	simm.s32 @!p2 $0x0  }
0x16: {  	s3 =	sld [smem:$0x3FDB];
	s0 =	simm.s32 @p2 $0x1  }
0x17: {  	s4 =	simm.s32 $0x1BF5;
	[smem:$0x3FB7] =	sst s0  }
0x18: {  	s0 =	sld [smem:$0x3F9A];
	_ =	swait.ge [sflag:s4], $0x0  }
0x19: {  	s7 =	sld [smem:$0x3F9B]  }
0x1a: {  	s8 =	sadd.s32 $0xFFFFE003, lr  }
0x1b: {  	s9 =	sadd.s32 $0xFFFFFEF7, lr;
	s5 =	simm.s32 $0xFFFFFFFF;
	p2 =	slt.u32 s8, $0xFFFFF086  }
0x1c: {  	p1 =	slt.u32 s9, $0xF7A;
	s5 =	simm.s32 @!p2 $0x0  }
0x1d: {  	s5 =	simm.s32 @p1 $0x1;
	p0 =	seq.s32 s7, s2  }
0x1e: {  	s7 =	smul.u32 @!p0 $0xF7A, s2;
	p2 =	seq.s32 @!p0 s5, $0x0  }
0x1f: {  	s9 =	smul.u32 $0xF7A, s1;
	s8 =	simm.s32 @!p0 $0x1BF5;
	p2 =	por !p2, p0  }
0x20: {  	[sflag:s8] =	ssyncset.s32 @!p0 $0xFFFFF086;
	s6 =	sadd.s32 @!p0 s3, s7;
	s7 =	simm.s32 @!p0 $0x108  }
0x21: {  	s3 =	sadd.s32 s3, s9;
	s6 =	sadd.s32 @!p0 $0x88, s6;
	s7 =	simm.s32 @p2 $0x1082  }
0x22: {  	[simem:s7], [sflag:s8] =	dma.local @!p0 [hbm:s6], $0xF7A  }
0x23: {  	s9 =	sor.u32 $0xD0000000, s2;
	s6 =	simm.s32 $0x108;
	_ =	swait.ge @!p0 [sflag:s8], $0x0  }
0x24: {  	s3 =	sadd.s32 $0x88, s3;
	s6 =	simm.s32 @!p1 $0x1082;
	[sflag:s4] =	ssyncset.s32 $0xFFFFF086  }
0x25: {  	[simem:s6], [sflag:s4] =	dma.local [hbm:s3], $0xF7A  }
0x26: {  	[smem:$0x3F9B] =	sst s1;
	(tag) =	ssettag s2;
	_ =	strace s9  }
0x27: {  	s1 =	sld [smem:$0x3FAB]  }
0x28: {  	s2 =	sld [smem:$0x3FAC]  }
0x29: {  	s4 =	sld [smem:$0x3FAE]  }
0x2a: {  	p0 =	seq.s32 s5, $0x0;
	s5 =	sld [smem:$0x3FAF]  }
0x2b: {  	s6 =	sld [smem:$0x3FB0]  }
0x2c: {  	s7 =	sld [smem:$0x3FB1]  }
0x2d: {  	s3 =	simm.s32 $0x108;
	s8 =	sld [smem:$0x3FB2]  }
0x2e: {  	s3 =	simm.s32 @!p0 $0x1082;
	s9 =	sld [smem:$0x3FB3]  }
0x2f: {  	lr =	sadd.s32 s0, s3;
	s0 =	sld [smem:$0x3FAA]  }
0x30: {  	s3 =	sld [smem:$0x3FAD]  }
0x31: {  	[smem:$0x3FB6] =	sst s10  }
0x32: {  	s10 =	sld [smem:$0x3FB4];
	_ =	sdelay $0x3  }
0x33: {  	p0 =	seq.s32 s10, $0x1;
	s10 =	sld [smem:$0x3FB6];
	_ =	sdelay $0x3  }
0x34: {  	[smem:$0x3FB6] =	sst s10  }
0x35: {  	s10 =	sld [smem:$0x3FB5];
	_ =	sdelay $0x3  }
0x36: {  	p1 =	seq.s32 s10, $0x1;
	s10 =	sld [smem:$0x3FB6];
	_ =	sdelay $0x3  }
0x37: {  	[smem:$0x3FB6] =	sst s10  }
0x38: {  	s10 =	sld [smem:$0x3FB7]  }
0x39: {  	_ = 	snop;
	(pc) =	sbr.ind lr, $3  }
0x3a: {  	_ = 	snop  }
0x3b: {  	_ = 	snop  }
0x3c: {  	p2 =	seq.s32 s10, $0x1;
	s10 =	sld [smem:$0x3FB6]  }
0x3d: {  	_ =	shalt  }
0x3e: {  	_ =	shalt  }
0x3f: {  	_ =	shalt  }
0x40: {  	_ =	shalt  }
0x41: {  	_ =	shalt  }
0x42: {  	_ =	shalt  }
0x43: {  	_ =	shalt  }
0x44: {  	_ =	shalt  }
0x45: {  	_ =	shalt  }
0x46: {  	_ =	shalt  }
0x47: {  	_ =	shalt  }
0x48: {  	_ =	shalt  }
0x49: {  	_ =	shalt  }
0x4a: {  	_ =	shalt  }
0x4b: {  	_ =	shalt  }
0x4c: {  	_ =	shalt  }
0x4d: {  	_ =	shalt  }
0x4e: {  	_ =	shalt  }
0x4f: {  	_ =	shalt  }
0x50: {  	_ =	shalt  }
0x51: {  	_ =	shalt  }
0x52: {  	_ =	shalt  }
0x53: {  	_ =	shalt  }
0x54: {  	_ =	shalt  }
0x55: {  	_ =	shalt  }
0x56: {  	_ =	shalt  }
0x57: {  	_ =	shalt  }
0x58: {  	_ =	shalt  }
0x59: {  	_ =	shalt  }
0x5a: {  	_ =	shalt  }
0x5b: {  	_ =	shalt  }
0x5c: {  	_ =	shalt  }
0x5d: {  	_ =	shalt  }
0x5e: {  	_ =	shalt  }
0x5f: {  	_ =	shalt  }
0x60: {  	_ =	shalt  }
0x61: {  	_ =	shalt  }
0x62: {  	_ =	shalt  }
0x63: {  	_ =	shalt  }
0x64: {  	_ =	shalt  }
0x65: {  	_ =	shalt  }
0x66: {  	_ =	shalt  }
0x67: {  	_ =	shalt  }
0x68: {  	_ =	shalt  }
0x69: {  	_ =	shalt  }
0x6a: {  	_ =	shalt  }
0x6b: {  	_ =	shalt  }
0x6c: {  	_ =	shalt  }
0x6d: {  	_ =	shalt  }
0x6e: {  	_ =	shalt  }
0x6f: {  	_ =	shalt  }
0x70: {  	_ =	shalt  }
0x71: {  	_ =	shalt  }
0x72: {  	_ =	shalt  }
0x73: {  	_ =	shalt  }
0x74: {  	_ =	shalt  }
0x75: {  	_ =	shalt  }
0x76: {  	_ =	shalt  }
0x77: {  	_ =	shalt  }
0x78: {  	_ =	shalt  }
0x79: {  	_ =	shalt  }
0x7a: {  	_ =	shalt  }
0x7b: {  	_ =	shalt  }
0x7c: {  	_ =	shalt  }
0x7d: {  	_ =	shalt  }
0x7e: {  	_ =	shalt  }
0x7f: {  	_ =	shalt  }
0x80: {  	_ =	shalt  }
0x81: {  	_ =	shalt  }
0x82: {  	_ =	shalt  }
0x83: {  	_ =	shalt  }
0x84: {  	_ =	shalt  }
0x85: {  	_ =	shalt  }
0x86: {  	_ =	shalt  }
0x87: {  	_ =	shalt  }
.Lfunc_end0:
.L_simem_size_0:
called_computation.1_lowered:
.L_overlay_start_0:
0x88: {  	s2 =	sld [smem:$0x3FD9]  }
0x89: {  	s3 =	sld [smem:$0x3FFE];
	_ =	sdelay $0x1  }
0x8a: {  	s1 =	srdreg.scid  }
0x8b: {  	s0 =	sand.u32 $0x1, s1  }
0x8c: {  	s17 =	sshll.u32 s0, $0xA;
	s2 =	sadd.s32 s3, s2  }
0x8d: {  	s2 =	sadd.s32 s2, s17  }
0x8e: {  	[smem:$0x3FC2] =	sst s2  }
0x8f: {  	_ = 	snop  }
0x90: {  	s2 =	sld [smem:$0x3FD0];
	(tm) =	ssettm $0x1  }
0x91: {  	s18 =	sld [smem:$0x3FFB];
	_ =	sdelay $0x3  }
0x92: {  	_ =	strace s18  }
0x93: {  	s3 =	sld [smem:$0x3FFC];
	_ =	sdelay $0x3  }
0x94: {  	_ =	strace s3  }
0x95: {  	s3 =	sld [smem:$0x3FFD];
	_ =	sdelay $0x3  }
0x96: {  	_ =	strace s3  }
0x97: {  	_ =	strace $0x8FFFFFFF  }
0x98: {  	s19 =	sld [smem:$0x3FDB];
	_ =	sdelay $0x1  }
0x99: {  	s4 =	simm.s32 $_scs_section_size  }
0x9a: {  	s5 =	simm.s32 $_size__tile_overlayer_lowered;
	s6 =	simm.s32 $_tile_overlayer_lowered  }
0x9b: {  	s22 =	simm.s32 $0x1BFF;
	s21 =	sshll.u32 s6, $0x1;
	s3 =	sadd.s32 s4, s19  }
0x9c: {  	s7 =	simm.s32 $0x0;
	s20 =	sshll.u32 s5, $0x1;
	s5 =	sadd.s32 s21, s3  }
0x9d: {  	[timem:s7], [sflag:s22] =	dma.local [hbm:s5], s20  }
0x9e: {  	_ =	swait.ge [sflag:s22], s20  }
0x9f: {  	s4 =	ssub.s32 $0x0, s20;
	[sflag:s22] =	ssyncset.done $0x0  }
0xa0: {  	[sflag:s22] =	ssyncadd.s32 s4;
	_ =	sdelay $0x1  }
0xa1: {  	s23 =	simm.s32 $0x1B8B  }
0xa2: {  	_ =	swait.ge [sflag:s23], $0x1  }
0xa3: {  	[sflag:s23] =	ssyncset.done $0x0  }
0xa4: {  	s25 =	simm.s32 $0x1B8E;
	s24 =	sld [smem:$0x3FFE];
	[sflag:s23] =	ssyncadd.s32 $0xFFFFFFFF  }
0xa5: {  	s26 =	simm.s32 $execute0_lowered;
	[smem:$0x3FD2] =	sst s25  }
0xa6: {  	s5 =	sshll.u32 s26, $0x1;
	_ =	strace $0x80000049;
	[dreg:$0x1] =	wrdreg $0xFFFFFFFF  }
0xa7: {  	s28 =	simm.s32 $_size_execute0_lowered;
	s3 =	sadd.s32 s3, s5;
	[dreg:$0x0] =	wrdreg $0x0  }
0xa8: {  	s5 =	sshll.u32 s28, $0x1;
	[dreg:$0x2] =	wrdreg s3  }
0xa9: {  	[dreg:$0x3] =	wrdreg s5  }
0xaa: {  	[dreg:$0x4] =	wrdreg $0xC0  }
0xab: {  	_ =	task [dreg:s7], $0x5FFFF  }
0xac: {  	[dreg:$0x1] =	wrdreg $0xFFFFFFFF  }
0xad: {  	[dreg:$0x0] =	wrdreg $0x60  }
0xae: {  	[dreg:$0x2] =	wrdreg s24  }
0xaf: {  	[dreg:$0x3] =	wrdreg s2  }
0xb0: {  	[dreg:$0x4] =	wrdreg $0x90000  }
0xb1: {  	[dreg:$0x5] =	wrdreg $0x9  }
0xb2: {  	_ =	task.clear_ibuf [dreg:s7], $0x6FFFF;
	_ =	strace $0x90000049  }
0xb3: {  	s29 =	simm.s32 $0x9;
	_ =	strace $0x8000004B  }
0xb4: {  	_ =	swait.ge [sflag:s29], $0x1  }
0xb5: {  	[sflag:s29] =	ssyncadd.s32 $0xFFFFFFFF  }
0xb6: {  	_ =	strace $0x9000004B  }
0xb7: {  	_ =	sfence  }
0xb8: {  	s30 =	sld [smem:$0x0];
	_ =	sdelay $0x2  }
0xb9: {  	s31 =	sshll.u32 s1, $0xD;
	s1 =	sshrl.u32 s1, $0x2  }
0xba: {  	s3 =	sand.u32 $0x4000, s31;
	s1 =	sadd.s32 s1, s30  }
0xbb: {  	s0 =	sor.u32 s3, s0;
	s1 =	sshll.u32 s1, $0x11  }
0xbc: {  	s0 =	sor.u32 s1, s0  }
0xbd: {  	s0 =	sadd.s32 $0x8F2B, s0  }
0xbe: {  	[sflag:s0] =	ssyncadd.remote.s32 $0x1  }
0xbf: {  	_ =	sfence.sel $0xFFFF  }
0xc0: {  	[dreg:$0x0] =	wrdreg $0xFFFFFFFF;
	(pc) =	sbr.abs _section_cstart, $3  }
0xc1: {  	[dreg:$0x1] =	wrdreg $0xFFFFFFFF  }
0xc2: {  	_ =	task.clear_ibuf [dreg:s7], $0x2FFFF;
	_ =	strace $0x9FFFFFFF  }
0xc3: {  	(tm) =	ssettm $0x7FFFFFFF  }
tec
execute0_lowered:
.L_overlay_start_1:
0x0: {  	(tag) =	ssettag $0x1  }
0x1: {  	s5 =	rddreg [dreg:$0x0]  }
0x2: {  	s0 =	srdreg.scid;
	s11 =	rddreg [dreg:$0x1]  }
0x3: {  	s2 =	rddreg [dreg:$0x2];
	s1 =	stileid.u32  }
0x4: {  	s3 =	simm.s32 $0x0;
	s21 =	simm.s32 $0x2800;
	s22 =	simm.s32 $0x80  }
0x5: {  	s7 =	sand.u32 $0x1, s0;
	s0 =	rddreg [dreg:$0x3];
	s6 =	smul.u32 $0x50000, s1  }
0x6: {  	s23 =	simm.s32 $0x0;
	[smem:$0x7FF] =	sst s3;
	s13 =	smul.u32 $0x14000, s1  }
0x7: {  	s16 =	sadd.s32 $0x5CC00, s5;
	s4 =	sshll.u32 s7, $0x4;
	_ =	strace $0x8000004A  }
0x8: {  	s8 =	ssub.s32 $0x2, s7;
	s20 =	smul.u32 $0x140000, s7;
	s4 =	sor.u32 s1, s4  }
0x9: {  	s24 =	sshrl.u32 s8, $0x1;
	s25 =	sshrl.u32 s6, $0x2;
	s14 =	sadd.s32 $0x4000, s13  }
0xa: {  	s15 =	sadd.s32 $0x8000, s13;
	s18 =	sadd.s32 $0xC000, s13;
	s19 =	sadd.s32 $0x10000, s13  }
0xb: {  	s12 =	smul.u32 $0x500, s4;
	s4 =	sadd.s32 $0x2C00, s5;
	s17 =	ssub.s32 s8, s24  }
0xc: {  	s6 =	sadd.s32 s14, s2;
	s7 =	sadd.s32 s15, s2;
	s8 =	sadd.s32 s18, s2  }
0xd: {  	s9 =	sadd.s32 s19, s2;
	s13 =	sadd.s32 s13, s20;
	s14 =	sadd.s32 s20, s14  }
0xe: {  	s29 =	sadd.s32 s20, s15;
	s30 =	sadd.s32 s20, s18;
	s31 =	sadd.s32 s20, s19  }
0xf: {  	s19 =	simm.s32 $0x2;
	s20 =	simm.s32 $0x1;
	s26 =	sshrl.u32 s13, $0x3  }
0x10: {  	s28 =	sshrl.u32 s14, $0x3;
	s14 =	sshrl.u32 s29, $0x3;
	s15 =	sshrl.u32 s30, $0x3  }
0x11: {  	s18 =	sshrl.u32 s31, $0x3;
	s17 =	smax.u32 s17, $0x1;
	s10 =	sadd.s32 s12, s5  }
0x12: {  	s5 =	sadd.s32 s25, s2;
	s11 =	sadd.s32 s11, s12;
	s12 =	sadd.s32 s16, s26  }
0x13: {  	s13 =	sadd.s32 s16, s28;
	s14 =	sadd.s32 s16, s14;
	s15 =	sadd.s32 s16, s15  }
0x14: {  	v0 =	vimm.f32 $0.0e+00;
	s16 =	sadd.s32 s16, s18;
	s18 =	simm.s32 $0x5000;
	s10 =	sadd.s32 $0x52C00, s10  }
.LBB2_1:
0x15: {  	s24 =	simm.s32 $0x0;
	s25 =	simm.s32 $0x200  }
.LBB2_2:
0x16: {  	p0 =	sne.s32 s25, $0xFE00;
	[tilespmem:s24+$0x5070] =	vst v0  }
0x17: {  	[tilespmem:s24+$0x5000] =	vst v0  }
0x18: {  	[tilespmem:s24+$0x5010] =	vst v0  }
.Ltmp0:
0x19: {  	[tilespmem:s24+$0x5020] =	vst v0;
	(pc) =	sbr.rel @p0 .LBB2_2-.Ltmp0, $4  }
0x1a: {  	[tilespmem:s24+$0x5030] =	vst v0  }
0x1b: {  	[tilespmem:s24+$0x5040] =	vst v0  }
0x1c: {  	[tilespmem:s24+$0x5050] =	vst v0  }
0x1d: {  	[tilespmem:s24+$0x5060] =	vst v0;
	s24 =	sshra.s32 s25, $0x2;
	s25 =	sadd.s32 $0x200, s25  }
0x1e: {  	[tilespmem:s24+$0x5070] =	vst v0  }
0x1f: {  	[tilespmem:s24+$0x5000] =	vst v0  }
0x20: {  	[tilespmem:s24+$0x5010] =	vst v0  }
0x21: {  	[tilespmem:s24+$0x5020] =	vst v0  }
0x22: {  	[tilespmem:s24+$0x5030] =	vst v0  }
0x23: {  	[tilespmem:s24+$0x5040] =	vst v0  }
0x24: {  	[tilespmem:s24+$0x5050] =	vst v0  }
0x25: {  	[tilespmem:s24+$0x5060] =	vst v0  }
0x26: {  	[spmem:s5] =	stream.linear.scatter [tilespmem:s18], [sflag:$0x2], $0x4000, $0x38;
	[tilespmem:$0x1D000] =	vst v63  }
0x27: {  	_ =	swait.ge [sflag:s19], $0x4000  }
0x28: {  	[sflag:s19] =	ssyncset.done $0x0  }
0x29: {  	[sflag:s19] =	ssyncadd.s32 $0xFFFFC000  }
0x2a: {  	[spmem:s6] =	stream.linear.scatter [tilespmem:s18], [sflag:$0x2], $0x4000, $0x38;
	[tilespmem:$0x1D000] =	vst v63  }
0x2b: {  	_ =	swait.ge [sflag:s19], $0x4000  }
0x2c: {  	[sflag:s19] =	ssyncset.done $0x0  }
0x2d: {  	[sflag:s19] =	ssyncadd.s32 $0xFFFFC000  }
0x2e: {  	[spmem:s7] =	stream.linear.scatter [tilespmem:s18], [sflag:$0x2], $0x4000, $0x38;
	[tilespmem:$0x1D000] =	vst v63  }
0x2f: {  	_ =	swait.ge [sflag:s19], $0x4000  }
0x30: {  	[sflag:s19] =	ssyncset.done $0x0  }
0x31: {  	[sflag:s19] =	ssyncadd.s32 $0xFFFFC000  }
0x32: {  	[spmem:s8] =	stream.linear.scatter [tilespmem:s18], [sflag:$0x2], $0x4000, $0x38;
	[tilespmem:$0x1D000] =	vst v63  }
0x33: {  	_ =	swait.ge [sflag:s19], $0x4000  }
0x34: {  	[sflag:s19] =	ssyncset.done $0x0  }
0x35: {  	[sflag:s19] =	ssyncadd.s32 $0xFFFFC000  }
0x36: {  	[spmem:s9] =	stream.linear.scatter [tilespmem:s18], [sflag:$0x2], $0x4000, $0x38;
	[tilespmem:$0x1D000] =	vst v63  }
0x37: {  	_ =	swait.ge [sflag:s19], $0x4000  }
0x38: {  	[sflag:s19] =	ssyncset.done $0x0  }
0x39: {  	[sflag:s19] =	ssyncadd.s32 $0xFFFFC000  }
0x3a: {  	s29 =	simm.s32 $0x0;
	[bflag:$0x0] =	sbarrier.arrive $0xFFFF  }
0x3b: {  	[tilespmem:s29], [sflag:$0x1] =	stream.linear.gather [hbm4b:s10+s29], $0x2780, $0x38;
	[tilespmem:$0x1D000] =	vst v63  }
0x3c: {  	_ =	swait.ge [sflag:s20], $0x2780  }
0x3d: {  	[sflag:s20] =	ssyncset.done $0x0  }
0x3e: {  	[sflag:s20] =	ssyncadd.s32 $0xFFFFD880  }
0x3f: {  	[tilespmem:s21], [sflag:$0x1] =	stream.linear.gather [hbm4b:s11+s29], $0x2780, $0x38;
	[tilespmem:$0x1D000] =	vst v63  }
0x40: {  	_ =	swait.ge [sflag:s20], $0x2780  }
0x41: {  	[sflag:s20] =	ssyncset.done $0x0  }
0x42: {  	s30 =	simm.s32 $0x0;
	[sflag:s20] =	ssyncadd.s32 $0xFFFFD880  }
0x43: {  	[tilespmem:s18], [sflag:$0x1] =	stream.indirect.gather [hbm4b:s4+s22], $0x80, s30, s22, $0xb8;
	[tilespmem:$0x1D000] =	vst v63  }
0x44: {  	_ =	swait.ge [sflag:s20], $0x4000  }
0x45: {  	[sflag:s20] =	ssyncset.done $0x0  }
0x46: {  	s31 =	simm.s32 $0x2800;
	[sflag:s20] =	ssyncadd.s32 $0xFFFFC000  }
0x47: {  	[spmem:s2] =	stream.indirect.scatter.add.f32 [tilespmem:s18], [sflag:$0x2], $0x80, s31, s22, $0xb8;
	[tilespmem:$0x1D000] =	vst v63  }
0x48: {  	_ =	swait.ge [sflag:s19], $0x4000  }
0x49: {  	s24 =	simm.s32 $0x200;
	s25 =	simm.s32 $0x400;
	[sflag:s19] =	ssyncset.done $0x0  }
.LBB2_4:
0x4a: {  	s26 =	sshra.s32 s24, $0x2  }
0x4b: {  	[sflag:s19] =	ssyncadd.s32 $0xFFFFC000;
	s24 =	smov.u32 s25;
	s28 =	sadd.s32 $0x200, s25  }
0x4c: {  	[tilespmem:s18], [sflag:$0x1] =	stream.indirect.gather [hbm4b:s4+s22], $0x80, s26, s22, $0xb8;
	[tilespmem:$0x1D000] =	vst v63  }
0x4d: {  	p0 =	sne.s32 s25, $0x9C00;
	_ =	swait.ge [sflag:s20], $0x4000  }
.Ltmp1:
0x4e: {  	[sflag:s20] =	ssyncset.done $0x0;
	(pc) =	sbr.rel @p0 .LBB2_4-.Ltmp1, $4  }
0x4f: {  	s25 =	sadd.s32 $0x2800, s26;
	[sflag:s20] =	ssyncadd.s32 $0xFFFFC000  }
0x50: {  	[spmem:s2] =	stream.indirect.scatter.add.f32 [tilespmem:s18], [sflag:$0x2], $0x80, s25, s22, $0xb8;
	[tilespmem:$0x1D000] =	vst v63  }
0x51: {  	_ =	swait.ge [sflag:s19], $0x4000  }
0x52: {  	s25 =	smov.u32 s28;
	[sflag:s19] =	ssyncset.done $0x0  }
0x53: {  	s24 =	sshra.s32 s24, $0x2;
	[sflag:s19] =	ssyncadd.s32 $0xFFFFC000  }
0x54: {  	[tilespmem:s18], [sflag:$0x1] =	stream.indirect.gather [hbm4b:s4+s22], $0x80, s24, s22, $0xb8;
	[tilespmem:$0x1D000] =	vst v63  }
0x55: {  	_ =	swait.ge [sflag:s20], $0x4000  }
0x56: {  	[sflag:s20] =	ssyncset.done $0x0  }
0x57: {  	s24 =	sadd.s32 $0x2800, s24;
	[sflag:s20] =	ssyncadd.s32 $0xFFFFC000  }
0x58: {  	[spmem:s2] =	stream.indirect.scatter.add.f32 [tilespmem:s18], [sflag:$0x2], $0x80, s24, s22, $0xb8;
	[tilespmem:$0x1D000] =	vst v63  }
0x59: {  	_ =	swait.ge [sflag:s19], $0x4000  }
0x5a: {  	[sflag:s19] =	ssyncset.done $0x0  }
0x5b: {  	[sflag:s19] =	ssyncadd.s32 $0xFFFFC000  }
0x5c: {  	[bflag:$0x0] =	sbarrier.arrive $0xFFFF  }
0x5d: {  	[tilespmem:s18], [sflag:$0x2] =	stream.linear.gather [spmem:s5], $0x4000, $0x38;
	[tilespmem:$0x1D000] =	vst v63  }
0x5e: {  	_ =	swait.ge [sflag:s19], $0x4000  }
0x5f: {  	[sflag:s19] =	ssyncset.done $0x0  }
0x60: {  	[sflag:s19] =	ssyncadd.s32 $0xFFFFC000  }
0x61: {  	[hbm4b:s12+s3] =	stream.linear.scatter [tilespmem:s18], [sflag:$0x2], $0x4000, $0x38;
	[tilespmem:$0x1D000] =	vst v63  }
0x62: {  	_ =	swait.ge [sflag:s19], $0x4000  }
0x63: {  	[sflag:s19] =	ssyncset.done $0x0  }
0x64: {  	[sflag:s19] =	ssyncadd.s32 $0xFFFFC000  }
0x65: {  	[tilespmem:s18], [sflag:$0x2] =	stream.linear.gather [spmem:s6], $0x4000, $0x38;
	[tilespmem:$0x1D000] =	vst v63  }
0x66: {  	_ =	swait.ge [sflag:s19], $0x4000  }
0x67: {  	[sflag:s19] =	ssyncset.done $0x0  }
0x68: {  	[sflag:s19] =	ssyncadd.s32 $0xFFFFC000  }
0x69: {  	[hbm4b:s13+s3] =	stream.linear.scatter [tilespmem:s18], [sflag:$0x2], $0x4000, $0x38;
	[tilespmem:$0x1D000] =	vst v63  }
0x6a: {  	_ =	swait.ge [sflag:s19], $0x4000  }
0x6b: {  	[sflag:s19] =	ssyncset.done $0x0  }
0x6c: {  	[sflag:s19] =	ssyncadd.s32 $0xFFFFC000  }
0x6d: {  	[tilespmem:s18], [sflag:$0x2] =	stream.linear.gather [spmem:s7], $0x4000, $0x38;
	[tilespmem:$0x1D000] =	vst v63  }
0x6e: {  	_ =	swait.ge [sflag:s19], $0x4000  }
0x6f: {  	[sflag:s19] =	ssyncset.done $0x0  }
0x70: {  	[sflag:s19] =	ssyncadd.s32 $0xFFFFC000  }
0x71: {  	[hbm4b:s14+s3] =	stream.linear.scatter [tilespmem:s18], [sflag:$0x2], $0x4000, $0x38;
	[tilespmem:$0x1D000] =	vst v63  }
0x72: {  	_ =	swait.ge [sflag:s19], $0x4000  }
0x73: {  	[sflag:s19] =	ssyncset.done $0x0  }
0x74: {  	[sflag:s19] =	ssyncadd.s32 $0xFFFFC000  }
0x75: {  	[tilespmem:s18], [sflag:$0x2] =	stream.linear.gather [spmem:s8], $0x4000, $0x38;
	[tilespmem:$0x1D000] =	vst v63  }
0x76: {  	_ =	swait.ge [sflag:s19], $0x4000  }
0x77: {  	[sflag:s19] =	ssyncset.done $0x0  }
0x78: {  	[sflag:s19] =	ssyncadd.s32 $0xFFFFC000  }
0x79: {  	[hbm4b:s15+s3] =	stream.linear.scatter [tilespmem:s18], [sflag:$0x2], $0x4000, $0x38;
	[tilespmem:$0x1D000] =	vst v63  }
0x7a: {  	_ =	swait.ge [sflag:s19], $0x4000  }
0x7b: {  	[sflag:s19] =	ssyncset.done $0x0  }
0x7c: {  	[sflag:s19] =	ssyncadd.s32 $0xFFFFC000  }
0x7d: {  	[tilespmem:s18], [sflag:$0x2] =	stream.linear.gather [spmem:s9], $0x4000, $0x38;
	[tilespmem:$0x1D000] =	vst v63  }
0x7e: {  	s23 =	sadd.s32 $0x1, s23;
	_ =	swait.ge [sflag:s19], $0x4000  }
0x7f: {  	p0 =	sne.s32 s23, s17;
	[sflag:s19] =	ssyncset.done $0x0  }
.Ltmp2:
0x80: {  	[sflag:s19] =	ssyncadd.s32 $0xFFFFC000;
	(pc) =	sbr.rel @p0 .LBB2_1-.Ltmp2, $4  }
0x81: {  	[hbm4b:s16+s3] =	stream.linear.scatter [tilespmem:s18], [sflag:$0x2], $0x4000, $0x38;
	[tilespmem:$0x1D000] =	vst v63  }
0x82: {  	_ =	swait.ge [sflag:s19], $0x4000  }
0x83: {  	[sflag:s19] =	ssyncset.done $0x0  }
0x84: {  	[sflag:s19] =	ssyncadd.s32 $0xFFFFC000  }
0x85: {  	_ =	sfence.sel $0x180000  }
0x86: {  	[bflag:$0x0] =	sbarrier.arrive $0xFFFF  }
0x87: {  	p0 =	sne.s32 s1, $0x0;
	_ =	strace $0x9000004A  }
0x88: {  	s0 =	sadd.s32 @!p0 $0x100000, s0;
	[bflag:$0x2] =	sbarrier.arrive $0xFFFF  }
0x89: {  	[sflag:s0] =	ssyncadd.tile.s32 @!p0 $0x1;
	_ =	shalt  }
.Lfunc_end2:
_tile_overlayer_lowered:
.L_overlay_start_2:
0x8a: {  	(tag) =	ssettag $0x2  }
0x8b: {  	s0 =	rddreg [dreg:$0x0];
	s2 =	stileid.u32  }
0x8c: {  	s1 =	rddreg [dreg:$0x1];
	p0 =	sne.s32 s2, $0x0  }
0x8d: {  	s3 =	rddreg [dreg:$0x2];
	[bflag:$0x3] =	sbarrier.arrive $0xFFFF;
	s2 =	simm.s32 @!p0 $0x1C02  }
0x8e: {  	[timem:s3], [sflag:s2] =	dma.local @!p0 [hbm:s0], s1  }
0x8f: {  	s0 =	simm.s32 @!p0 $0x2  }
0x90: {  	_ =	swait.ge @!p0 [sflag:s0], s1  }
0x91: {  	s1 =	ssub.s32 @!p0 $0x0, s1;
	[sflag:s0] =	ssyncset.done @!p0 $0x0  }
0x92: {  	[sflag:s0] =	ssyncadd.s32 @!p0 s1  }
0x93: {  	[bflag:$0x3] =	sbarrier.arrive $0xFFFF  }
0x94: {  	_ =	shalt  }

// kernel: kernel.14.cloned.1.call-start
scs
__scs_entry_jumppad:
0x0: {  	(pc) =	sbr.rel $0x88, $3  }
0x1: {  	(tag) =	ssettag $0x0;
	lr =	simm.s32 $0x1  }
0x2: {  	[smem:$0x3F9B] =	sst lr;
	_ =	strace $0xD0000000  }
0x3: {  	_ = 	snop  }
0x4: {  	_ = 	snop  }
0x5: {  	_ = 	snop  }
0x6: {  	_ = 	snop  }
0x7: {  	_ = 	snop  }
__scs_overlays_trampoline_lowered:
0x8: {  	[smem:$0x3FAA] =	sst s0  }
0x9: {  	[smem:$0x3FAB] =	sst s1  }
0xa: {  	[smem:$0x3FAC] =	sst s2  }
0xb: {  	[smem:$0x3FAD] =	sst s3  }
0xc: {  	[smem:$0x3FAE] =	sst s4  }
0xd: {  	[smem:$0x3FAF] =	sst s5  }
0xe: {  	[smem:$0x3FB0] =	sst s6  }
0xf: {  	[smem:$0x3FB1] =	sst s7  }
0x10: {  	[smem:$0x3FB2] =	sst s8  }
0x11: {  	[smem:$0x3FB3] =	sst s9;
	s0 =	simm.s32 @!p0 $0x0  }
0x12: {  	s1 =	sld [smem:$0x3F99];
	s0 =	simm.s32 @p0 $0x1  }
0x13: {  	[smem:$0x3FB4] =	sst s0;
	s0 =	simm.s32 @!p1 $0x0  }
0x14: {  	s2 =	sld [smem:$0x3F98];
	s0 =	simm.s32 @p1 $0x1  }
0x15: {  	[smem:$0x3FB5] =	sst s0;
	s0 =	simm.s32 @!p2 $0x0  }
0x16: {  	s3 =	sld [smem:$0x3FDB];
	s0 =	simm.s32 @p2 $0x1  }
0x17: {  	s4 =	simm.s32 $0x1BF5;
	[smem:$0x3FB7] =	sst s0  }
0x18: {  	s0 =	sld [smem:$0x3F9A];
	_ =	swait.ge [sflag:s4], $0x0  }
0x19: {  	s7 =	sld [smem:$0x3F9B]  }
0x1a: {  	s8 =	sadd.s32 $0xFFFFE003, lr  }
0x1b: {  	s9 =	sadd.s32 $0xFFFFFEF7, lr;
	s5 =	simm.s32 $0xFFFFFFFF;
	p2 =	slt.u32 s8, $0xFFFFF086  }
0x1c: {  	p1 =	slt.u32 s9, $0xF7A;
	s5 =	simm.s32 @!p2 $0x0  }
0x1d: {  	s5 =	simm.s32 @p1 $0x1;
	p0 =	seq.s32 s7, s2  }
0x1e: {  	s7 =	smul.u32 @!p0 $0xF7A, s2;
	p2 =	seq.s32 @!p0 s5, $0x0  }
0x1f: {  	s9 =	smul.u32 $0xF7A, s1;
	s8 =	simm.s32 @!p0 $0x1BF5;
	p2 =	por !p2, p0  }
0x20: {  	[sflag:s8] =	ssyncset.s32 @!p0 $0xFFFFF086;
	s6 =	sadd.s32 @!p0 s3, s7;
	s7 =	simm.s32 @!p0 $0x108  }
0x21: {  	s3 =	sadd.s32 s3, s9;
	s6 =	sadd.s32 @!p0 $0x88, s6;
	s7 =	simm.s32 @p2 $0x1082  }
0x22: {  	[simem:s7], [sflag:s8] =	dma.local @!p0 [hbm:s6], $0xF7A  }
0x23: {  	s9 =	sor.u32 $0xD0000000, s2;
	s6 =	simm.s32 $0x108;
	_ =	swait.ge @!p0 [sflag:s8], $0x0  }
0x24: {  	s3 =	sadd.s32 $0x88, s3;
	s6 =	simm.s32 @!p1 $0x1082;
	[sflag:s4] =	ssyncset.s32 $0xFFFFF086  }
0x25: {  	[simem:s6], [sflag:s4] =	dma.local [hbm:s3], $0xF7A  }
0x26: {  	[smem:$0x3F9B] =	sst s1;
	(tag) =	ssettag s2;
	_ =	strace s9  }
0x27: {  	s1 =	sld [smem:$0x3FAB]  }
0x28: {  	s2 =	sld [smem:$0x3FAC]  }
0x29: {  	s4 =	sld [smem:$0x3FAE]  }
0x2a: {  	p0 =	seq.s32 s5, $0x0;
	s5 =	sld [smem:$0x3FAF]  }
0x2b: {  	s6 =	sld [smem:$0x3FB0]  }
0x2c: {  	s7 =	sld [smem:$0x3FB1]  }
0x2d: {  	s3 =	simm.s32 $0x108;
	s8 =	sld [smem:$0x3FB2]  }
0x2e: {  	s3 =	simm.s32 @!p0 $0x1082;
	s9 =	sld [smem:$0x3FB3]  }
0x2f: {  	lr =	sadd.s32 s0, s3;
	s0 =	sld [smem:$0x3FAA]  }
0x30: {  	s3 =	sld [smem:$0x3FAD]  }
0x31: {  	[smem:$0x3FB6] =	sst s10  }
0x32: {  	s10 =	sld [smem:$0x3FB4];
	_ =	sdelay $0x3  }
0x33: {  	p0 =	seq.s32 s10, $0x1;
	s10 =	sld [smem:$0x3FB6];
	_ =	sdelay $0x3  }
0x34: {  	[smem:$0x3FB6] =	sst s10  }
0x35: {  	s10 =	sld [smem:$0x3FB5];
	_ =	sdelay $0x3  }
0x36: {  	p1 =	seq.s32 s10, $0x1;
	s10 =	sld [smem:$0x3FB6];
	_ =	sdelay $0x3  }
0x37: {  	[smem:$0x3FB6] =	sst s10  }
0x38: {  	s10 =	sld [smem:$0x3FB7]  }
0x39: {  	_ = 	snop;
	(pc) =	sbr.ind lr, $3  }
0x3a: {  	_ = 	snop  }
0x3b: {  	_ = 	snop  }
0x3c: {  	p2 =	seq.s32 s10, $0x1;
	s10 =	sld [smem:$0x3FB6]  }
0x3d: {  	_ =	shalt  }
0x3e: {  	_ =	shalt  }
0x3f: {  	_ =	shalt  }
0x40: {  	_ =	shalt  }
0x41: {  	_ =	shalt  }
0x42: {  	_ =	shalt  }
0x43: {  	_ =	shalt  }
0x44: {  	_ =	shalt  }
0x45: {  	_ =	shalt  }
0x46: {  	_ =	shalt  }
0x47: {  	_ =	shalt  }
0x48: {  	_ =	shalt  }
0x49: {  	_ =	shalt  }
0x4a: {  	_ =	shalt  }
0x4b: {  	_ =	shalt  }
0x4c: {  	_ =	shalt  }
0x4d: {  	_ =	shalt  }
0x4e: {  	_ =	shalt  }
0x4f: {  	_ =	shalt  }
0x50: {  	_ =	shalt  }
0x51: {  	_ =	shalt  }
0x52: {  	_ =	shalt  }
0x53: {  	_ =	shalt  }
0x54: {  	_ =	shalt  }
0x55: {  	_ =	shalt  }
0x56: {  	_ =	shalt  }
0x57: {  	_ =	shalt  }
0x58: {  	_ =	shalt  }
0x59: {  	_ =	shalt  }
0x5a: {  	_ =	shalt  }
0x5b: {  	_ =	shalt  }
0x5c: {  	_ =	shalt  }
0x5d: {  	_ =	shalt  }
0x5e: {  	_ =	shalt  }
0x5f: {  	_ =	shalt  }
0x60: {  	_ =	shalt  }
0x61: {  	_ =	shalt  }
0x62: {  	_ =	shalt  }
0x63: {  	_ =	shalt  }
0x64: {  	_ =	shalt  }
0x65: {  	_ =	shalt  }
0x66: {  	_ =	shalt  }
0x67: {  	_ =	shalt  }
0x68: {  	_ =	shalt  }
0x69: {  	_ =	shalt  }
0x6a: {  	_ =	shalt  }
0x6b: {  	_ =	shalt  }
0x6c: {  	_ =	shalt  }
0x6d: {  	_ =	shalt  }
0x6e: {  	_ =	shalt  }
0x6f: {  	_ =	shalt  }
0x70: {  	_ =	shalt  }
0x71: {  	_ =	shalt  }
0x72: {  	_ =	shalt  }
0x73: {  	_ =	shalt  }
0x74: {  	_ =	shalt  }
0x75: {  	_ =	shalt  }
0x76: {  	_ =	shalt  }
0x77: {  	_ =	shalt  }
0x78: {  	_ =	shalt  }
0x79: {  	_ =	shalt  }
0x7a: {  	_ =	shalt  }
0x7b: {  	_ =	shalt  }
0x7c: {  	_ =	shalt  }
0x7d: {  	_ =	shalt  }
0x7e: {  	_ =	shalt  }
0x7f: {  	_ =	shalt  }
0x80: {  	_ =	shalt  }
0x81: {  	_ =	shalt  }
0x82: {  	_ =	shalt  }
0x83: {  	_ =	shalt  }
0x84: {  	_ =	shalt  }
0x85: {  	_ =	shalt  }
0x86: {  	_ =	shalt  }
0x87: {  	_ =	shalt  }
.Lfunc_end0:
.L_simem_size_0:
called_computation.2_lowered:
.L_overlay_start_0:
0x88: {  	s2 =	sld [smem:$0x3FD9]  }
0x89: {  	s3 =	sld [smem:$0x3FFE];
	_ =	sdelay $0x1  }
0x8a: {  	s1 =	srdreg.scid  }
0x8b: {  	s0 =	sand.u32 $0x1, s1  }
0x8c: {  	s17 =	sshll.u32 s0, $0xA;
	s2 =	sadd.s32 s3, s2  }
0x8d: {  	s2 =	sadd.s32 s2, s17  }
0x8e: {  	[smem:$0x3FC2] =	sst s2  }
0x8f: {  	_ = 	snop  }
0x90: {  	s2 =	sld [smem:$0x3FD0];
	(tm) =	ssettm $0x1  }
0x91: {  	s18 =	sld [smem:$0x3FFB];
	_ =	sdelay $0x3  }
0x92: {  	_ =	strace s18  }
0x93: {  	s3 =	sld [smem:$0x3FFC];
	_ =	sdelay $0x3  }
0x94: {  	_ =	strace s3  }
0x95: {  	s3 =	sld [smem:$0x3FFD];
	_ =	sdelay $0x3  }
0x96: {  	_ =	strace s3  }
0x97: {  	_ =	strace $0x8FFFFFFF  }
0x98: {  	s19 =	sld [smem:$0x3FDB];
	_ =	sdelay $0x1  }
0x99: {  	s4 =	simm.s32 $_scs_section_size  }
0x9a: {  	s5 =	simm.s32 $_size__tile_overlayer_lowered;
	s6 =	simm.s32 $_tile_overlayer_lowered  }
0x9b: {  	s22 =	simm.s32 $0x1BFF;
	s21 =	sshll.u32 s6, $0x1;
	s3 =	sadd.s32 s4, s19  }
0x9c: {  	s7 =	simm.s32 $0x0;
	s20 =	sshll.u32 s5, $0x1;
	s5 =	sadd.s32 s21, s3  }
0x9d: {  	[timem:s7], [sflag:s22] =	dma.local [hbm:s5], s20  }
0x9e: {  	_ =	swait.ge [sflag:s22], s20  }
0x9f: {  	s4 =	ssub.s32 $0x0, s20;
	[sflag:s22] =	ssyncset.done $0x0  }
0xa0: {  	[sflag:s22] =	ssyncadd.s32 s4;
	_ =	sdelay $0x1  }
0xa1: {  	s23 =	simm.s32 $0x1B8B  }
0xa2: {  	_ =	swait.ge [sflag:s23], $0x1  }
0xa3: {  	[sflag:s23] =	ssyncset.done $0x0  }
0xa4: {  	s25 =	simm.s32 $0x1B8E;
	s24 =	sld [smem:$0x3FFE];
	[sflag:s23] =	ssyncadd.s32 $0xFFFFFFFF  }
0xa5: {  	s26 =	simm.s32 $execute0_lowered;
	[smem:$0x3FD2] =	sst s25  }
0xa6: {  	s5 =	sshll.u32 s26, $0x1;
	_ =	strace $0x8000004C;
	[dreg:$0x1] =	wrdreg $0xFFFFFFFF  }
0xa7: {  	s28 =	simm.s32 $_size_execute0_lowered;
	s3 =	sadd.s32 s3, s5;
	[dreg:$0x0] =	wrdreg $0x0  }
0xa8: {  	s5 =	sshll.u32 s28, $0x1;
	[dreg:$0x2] =	wrdreg s3  }
0xa9: {  	[dreg:$0x3] =	wrdreg s5  }
0xaa: {  	[dreg:$0x4] =	wrdreg $0xC0  }
0xab: {  	_ =	task [dreg:s7], $0x5FFFF  }
0xac: {  	[dreg:$0x1] =	wrdreg $0xFFFFFFFF  }
0xad: {  	[dreg:$0x0] =	wrdreg $0x60  }
0xae: {  	[dreg:$0x2] =	wrdreg s24  }
0xaf: {  	[dreg:$0x3] =	wrdreg s2  }
0xb0: {  	[dreg:$0x4] =	wrdreg $0x90000  }
0xb1: {  	[dreg:$0x5] =	wrdreg $0x9  }
0xb2: {  	_ =	task.clear_ibuf [dreg:s7], $0x6FFFF;
	_ =	strace $0x9000004C  }
0xb3: {  	s29 =	simm.s32 $0x9;
	_ =	strace $0x8000004E  }
0xb4: {  	_ =	swait.ge [sflag:s29], $0x1  }
0xb5: {  	[sflag:s29] =	ssyncadd.s32 $0xFFFFFFFF  }
0xb6: {  	_ =	strace $0x9000004E  }
0xb7: {  	_ =	sfence  }
0xb8: {  	s30 =	sld [smem:$0x0];
	_ =	sdelay $0x2  }
0xb9: {  	s31 =	sshll.u32 s1, $0xD;
	s1 =	sshrl.u32 s1, $0x2  }
0xba: {  	s3 =	sand.u32 $0x4000, s31;
	s1 =	sadd.s32 s1, s30  }
0xbb: {  	s0 =	sor.u32 s3, s0;
	s1 =	sshll.u32 s1, $0x11  }
0xbc: {  	s0 =	sor.u32 s1, s0  }
0xbd: {  	s0 =	sadd.s32 $0x8F2B, s0  }
0xbe: {  	[sflag:s0] =	ssyncadd.remote.s32 $0x1  }
0xbf: {  	_ =	sfence.sel $0xFFFF  }
0xc0: {  	[dreg:$0x0] =	wrdreg $0xFFFFFFFF;
	(pc) =	sbr.abs _section_cstart, $3  }
0xc1: {  	[dreg:$0x1] =	wrdreg $0xFFFFFFFF  }
0xc2: {  	_ =	task.clear_ibuf [dreg:s7], $0x2FFFF;
	_ =	strace $0x9FFFFFFF  }
0xc3: {  	(tm) =	ssettm $0x7FFFFFFF  }
tec
execute0_lowered:
.L_overlay_start_1:
0x0: {  	(tag) =	ssettag $0x1  }
0x1: {  	s5 =	rddreg [dreg:$0x0]  }
0x2: {  	s0 =	srdreg.scid;
	s11 =	rddreg [dreg:$0x1]  }
0x3: {  	s2 =	rddreg [dreg:$0x2];
	s1 =	stileid.u32  }
0x4: {  	s3 =	simm.s32 $0x0;
	s21 =	simm.s32 $0x2800;
	s22 =	simm.s32 $0x80  }
0x5: {  	s7 =	sand.u32 $0x1, s0;
	s0 =	rddreg [dreg:$0x3];
	s6 =	smul.u32 $0x50000, s1  }
0x6: {  	s23 =	simm.s32 $0x0;
	[smem:$0x7FF] =	sst s3;
	s13 =	smul.u32 $0x14000, s1  }
0x7: {  	s16 =	sadd.s32 $0x83E00, s5;
	s4 =	sshll.u32 s7, $0x4;
	_ =	strace $0x8000004D  }
0x8: {  	s8 =	ssub.s32 $0x2, s7;
	s20 =	smul.u32 $0x140000, s7;
	s4 =	sor.u32 s1, s4  }
0x9: {  	s24 =	sshrl.u32 s8, $0x1;
	s25 =	sshrl.u32 s6, $0x2;
	s14 =	sadd.s32 $0x4000, s13  }
0xa: {  	s15 =	sadd.s32 $0x8000, s13;
	s18 =	sadd.s32 $0xC000, s13;
	s19 =	sadd.s32 $0x10000, s13  }
0xb: {  	s12 =	smul.u32 $0x500, s4;
	s4 =	sadd.s32 $0x2C00, s5;
	s17 =	ssub.s32 s8, s24  }
0xc: {  	s6 =	sadd.s32 s14, s2;
	s7 =	sadd.s32 s15, s2;
	s8 =	sadd.s32 s18, s2  }
0xd: {  	s9 =	sadd.s32 s19, s2;
	s13 =	sadd.s32 s13, s20;
	s14 =	sadd.s32 s20, s14  }
0xe: {  	s29 =	sadd.s32 s20, s15;
	s30 =	sadd.s32 s20, s18;
	s31 =	sadd.s32 s20, s19  }
0xf: {  	s19 =	simm.s32 $0x2;
	s20 =	simm.s32 $0x1;
	s26 =	sshrl.u32 s13, $0x3  }
0x10: {  	s28 =	sshrl.u32 s14, $0x3;
	s14 =	sshrl.u32 s29, $0x3;
	s15 =	sshrl.u32 s30, $0x3  }
0x11: {  	s18 =	sshrl.u32 s31, $0x3;
	s17 =	smax.u32 s17, $0x1;
	s10 =	sadd.s32 s12, s5  }
0x12: {  	s5 =	sadd.s32 s25, s2;
	s11 =	sadd.s32 s11, s12;
	s12 =	sadd.s32 s16, s26  }
0x13: {  	s13 =	sadd.s32 s16, s28;
	s14 =	sadd.s32 s16, s14;
	s15 =	sadd.s32 s16, s15  }
0x14: {  	v0 =	vimm.f32 $0.0e+00;
	s16 =	sadd.s32 s16, s18;
	s18 =	simm.s32 $0x5000;
	s10 =	sadd.s32 $0x52C00, s10  }
.LBB2_1:
0x15: {  	s24 =	simm.s32 $0x0;
	s25 =	simm.s32 $0x200  }
.LBB2_2:
0x16: {  	p0 =	sne.s32 s25, $0xFE00;
	[tilespmem:s24+$0x5070] =	vst v0  }
0x17: {  	[tilespmem:s24+$0x5000] =	vst v0  }
0x18: {  	[tilespmem:s24+$0x5010] =	vst v0  }
.Ltmp0:
0x19: {  	[tilespmem:s24+$0x5020] =	vst v0;
	(pc) =	sbr.rel @p0 .LBB2_2-.Ltmp0, $4  }
0x1a: {  	[tilespmem:s24+$0x5030] =	vst v0  }
0x1b: {  	[tilespmem:s24+$0x5040] =	vst v0  }
0x1c: {  	[tilespmem:s24+$0x5050] =	vst v0  }
0x1d: {  	[tilespmem:s24+$0x5060] =	vst v0;
	s24 =	sshra.s32 s25, $0x2;
	s25 =	sadd.s32 $0x200, s25  }
0x1e: {  	[tilespmem:s24+$0x5070] =	vst v0  }
0x1f: {  	[tilespmem:s24+$0x5000] =	vst v0  }
0x20: {  	[tilespmem:s24+$0x5010] =	vst v0  }
0x21: {  	[tilespmem:s24+$0x5020] =	vst v0  }
0x22: {  	[tilespmem:s24+$0x5030] =	vst v0  }
0x23: {  	[tilespmem:s24+$0x5040] =	vst v0  }
0x24: {  	[tilespmem:s24+$0x5050] =	vst v0  }
0x25: {  	[tilespmem:s24+$0x5060] =	vst v0  }
0x26: {  	[spmem:s5] =	stream.linear.scatter [tilespmem:s18], [sflag:$0x2], $0x4000, $0x38;
	[tilespmem:$0x1D000] =	vst v63  }
0x27: {  	_ =	swait.ge [sflag:s19], $0x4000  }
0x28: {  	[sflag:s19] =	ssyncset.done $0x0  }
0x29: {  	[sflag:s19] =	ssyncadd.s32 $0xFFFFC000  }
0x2a: {  	[spmem:s6] =	stream.linear.scatter [tilespmem:s18], [sflag:$0x2], $0x4000, $0x38;
	[tilespmem:$0x1D000] =	vst v63  }
0x2b: {  	_ =	swait.ge [sflag:s19], $0x4000  }
0x2c: {  	[sflag:s19] =	ssyncset.done $0x0  }
0x2d: {  	[sflag:s19] =	ssyncadd.s32 $0xFFFFC000  }
0x2e: {  	[spmem:s7] =	stream.linear.scatter [tilespmem:s18], [sflag:$0x2], $0x4000, $0x38;
	[tilespmem:$0x1D000] =	vst v63  }
0x2f: {  	_ =	swait.ge [sflag:s19], $0x4000  }
0x30: {  	[sflag:s19] =	ssyncset.done $0x0  }
0x31: {  	[sflag:s19] =	ssyncadd.s32 $0xFFFFC000  }
0x32: {  	[spmem:s8] =	stream.linear.scatter [tilespmem:s18], [sflag:$0x2], $0x4000, $0x38;
	[tilespmem:$0x1D000] =	vst v63  }
0x33: {  	_ =	swait.ge [sflag:s19], $0x4000  }
0x34: {  	[sflag:s19] =	ssyncset.done $0x0  }
0x35: {  	[sflag:s19] =	ssyncadd.s32 $0xFFFFC000  }
0x36: {  	[spmem:s9] =	stream.linear.scatter [tilespmem:s18], [sflag:$0x2], $0x4000, $0x38;
	[tilespmem:$0x1D000] =	vst v63  }
0x37: {  	_ =	swait.ge [sflag:s19], $0x4000  }
0x38: {  	[sflag:s19] =	ssyncset.done $0x0  }
0x39: {  	[sflag:s19] =	ssyncadd.s32 $0xFFFFC000  }
0x3a: {  	s29 =	simm.s32 $0x0;
	[bflag:$0x0] =	sbarrier.arrive $0xFFFF  }
0x3b: {  	[tilespmem:s29], [sflag:$0x1] =	stream.linear.gather [hbm4b:s10+s29], $0x2780, $0x38;
	[tilespmem:$0x1D000] =	vst v63  }
0x3c: {  	_ =	swait.ge [sflag:s20], $0x2780  }
0x3d: {  	[sflag:s20] =	ssyncset.done $0x0  }
0x3e: {  	[sflag:s20] =	ssyncadd.s32 $0xFFFFD880  }
0x3f: {  	[tilespmem:s21], [sflag:$0x1] =	stream.linear.gather [hbm4b:s11+s29], $0x2780, $0x38;
	[tilespmem:$0x1D000] =	vst v63  }
0x40: {  	_ =	swait.ge [sflag:s20], $0x2780  }
0x41: {  	[sflag:s20] =	ssyncset.done $0x0  }
0x42: {  	s30 =	simm.s32 $0x0;
	[sflag:s20] =	ssyncadd.s32 $0xFFFFD880  }
0x43: {  	[tilespmem:s18], [sflag:$0x1] =	stream.indirect.gather [hbm4b:s4+s22], $0x80, s30, s22, $0xb8;
	[tilespmem:$0x1D000] =	vst v63  }
0x44: {  	_ =	swait.ge [sflag:s20], $0x4000  }
0x45: {  	[sflag:s20] =	ssyncset.done $0x0  }
0x46: {  	s31 =	simm.s32 $0x2800;
	[sflag:s20] =	ssyncadd.s32 $0xFFFFC000  }
0x47: {  	[spmem:s2] =	stream.indirect.scatter.add.f32 [tilespmem:s18], [sflag:$0x2], $0x80, s31, s22, $0xb8;
	[tilespmem:$0x1D000] =	vst v63  }
0x48: {  	_ =	swait.ge [sflag:s19], $0x4000  }
0x49: {  	s24 =	simm.s32 $0x200;
	s25 =	simm.s32 $0x400;
	[sflag:s19] =	ssyncset.done $0x0  }
.LBB2_4:
0x4a: {  	s26 =	sshra.s32 s24, $0x2  }
0x4b: {  	[sflag:s19] =	ssyncadd.s32 $0xFFFFC000;
	s24 =	smov.u32 s25;
	s28 =	sadd.s32 $0x200, s25  }
0x4c: {  	[tilespmem:s18], [sflag:$0x1] =	stream.indirect.gather [hbm4b:s4+s22], $0x80, s26, s22, $0xb8;
	[tilespmem:$0x1D000] =	vst v63  }
0x4d: {  	p0 =	sne.s32 s25, $0x9C00;
	_ =	swait.ge [sflag:s20], $0x4000  }
.Ltmp1:
0x4e: {  	[sflag:s20] =	ssyncset.done $0x0;
	(pc) =	sbr.rel @p0 .LBB2_4-.Ltmp1, $4  }
0x4f: {  	s25 =	sadd.s32 $0x2800, s26;
	[sflag:s20] =	ssyncadd.s32 $0xFFFFC000  }
0x50: {  	[spmem:s2] =	stream.indirect.scatter.add.f32 [tilespmem:s18], [sflag:$0x2], $0x80, s25, s22, $0xb8;
	[tilespmem:$0x1D000] =	vst v63  }
0x51: {  	_ =	swait.ge [sflag:s19], $0x4000  }
0x52: {  	s25 =	smov.u32 s28;
	[sflag:s19] =	ssyncset.done $0x0  }
0x53: {  	s24 =	sshra.s32 s24, $0x2;
	[sflag:s19] =	ssyncadd.s32 $0xFFFFC000  }
0x54: {  	[tilespmem:s18], [sflag:$0x1] =	stream.indirect.gather [hbm4b:s4+s22], $0x80, s24, s22, $0xb8;
	[tilespmem:$0x1D000] =	vst v63  }
0x55: {  	_ =	swait.ge [sflag:s20], $0x4000  }
0x56: {  	[sflag:s20] =	ssyncset.done $0x0  }
0x57: {  	s24 =	sadd.s32 $0x2800, s24;
	[sflag:s20] =	ssyncadd.s32 $0xFFFFC000  }
0x58: {  	[spmem:s2] =	stream.indirect.scatter.add.f32 [tilespmem:s18], [sflag:$0x2], $0x80, s24, s22, $0xb8;
	[tilespmem:$0x1D000] =	vst v63  }
0x59: {  	_ =	swait.ge [sflag:s19], $0x4000  }
0x5a: {  	[sflag:s19] =	ssyncset.done $0x0  }
0x5b: {  	[sflag:s19] =	ssyncadd.s32 $0xFFFFC000  }
0x5c: {  	[bflag:$0x0] =	sbarrier.arrive $0xFFFF  }
0x5d: {  	[tilespmem:s18], [sflag:$0x2] =	stream.linear.gather [spmem:s5], $0x4000, $0x38;
	[tilespmem:$0x1D000] =	vst v63  }
0x5e: {  	_ =	swait.ge [sflag:s19], $0x4000  }
0x5f: {  	[sflag:s19] =	ssyncset.done $0x0  }
0x60: {  	[sflag:s19] =	ssyncadd.s32 $0xFFFFC000  }
0x61: {  	[hbm4b:s12+s3] =	stream.linear.scatter [tilespmem:s18], [sflag:$0x2], $0x4000, $0x38;
	[tilespmem:$0x1D000] =	vst v63  }
0x62: {  	_ =	swait.ge [sflag:s19], $0x4000  }
0x63: {  	[sflag:s19] =	ssyncset.done $0x0  }
0x64: {  	[sflag:s19] =	ssyncadd.s32 $0xFFFFC000  }
0x65: {  	[tilespmem:s18], [sflag:$0x2] =	stream.linear.gather [spmem:s6], $0x4000, $0x38;
	[tilespmem:$0x1D000] =	vst v63  }
0x66: {  	_ =	swait.ge [sflag:s19], $0x4000  }
0x67: {  	[sflag:s19] =	ssyncset.done $0x0  }
0x68: {  	[sflag:s19] =	ssyncadd.s32 $0xFFFFC000  }
0x69: {  	[hbm4b:s13+s3] =	stream.linear.scatter [tilespmem:s18], [sflag:$0x2], $0x4000, $0x38;
	[tilespmem:$0x1D000] =	vst v63  }
0x6a: {  	_ =	swait.ge [sflag:s19], $0x4000  }
0x6b: {  	[sflag:s19] =	ssyncset.done $0x0  }
0x6c: {  	[sflag:s19] =	ssyncadd.s32 $0xFFFFC000  }
0x6d: {  	[tilespmem:s18], [sflag:$0x2] =	stream.linear.gather [spmem:s7], $0x4000, $0x38;
	[tilespmem:$0x1D000] =	vst v63  }
0x6e: {  	_ =	swait.ge [sflag:s19], $0x4000  }
0x6f: {  	[sflag:s19] =	ssyncset.done $0x0  }
0x70: {  	[sflag:s19] =	ssyncadd.s32 $0xFFFFC000  }
0x71: {  	[hbm4b:s14+s3] =	stream.linear.scatter [tilespmem:s18], [sflag:$0x2], $0x4000, $0x38;
	[tilespmem:$0x1D000] =	vst v63  }
0x72: {  	_ =	swait.ge [sflag:s19], $0x4000  }
0x73: {  	[sflag:s19] =	ssyncset.done $0x0  }
0x74: {  	[sflag:s19] =	ssyncadd.s32 $0xFFFFC000  }
0x75: {  	[tilespmem:s18], [sflag:$0x2] =	stream.linear.gather [spmem:s8], $0x4000, $0x38;
	[tilespmem:$0x1D000] =	vst v63  }
0x76: {  	_ =	swait.ge [sflag:s19], $0x4000  }
0x77: {  	[sflag:s19] =	ssyncset.done $0x0  }
0x78: {  	[sflag:s19] =	ssyncadd.s32 $0xFFFFC000  }
0x79: {  	[hbm4b:s15+s3] =	stream.linear.scatter [tilespmem:s18], [sflag:$0x2], $0x4000, $0x38;
	[tilespmem:$0x1D000] =	vst v63  }
0x7a: {  	_ =	swait.ge [sflag:s19], $0x4000  }
0x7b: {  	[sflag:s19] =	ssyncset.done $0x0  }
0x7c: {  	[sflag:s19] =	ssyncadd.s32 $0xFFFFC000  }
0x7d: {  	[tilespmem:s18], [sflag:$0x2] =	stream.linear.gather [spmem:s9], $0x4000, $0x38;
	[tilespmem:$0x1D000] =	vst v63  }
0x7e: {  	s23 =	sadd.s32 $0x1, s23;
	_ =	swait.ge [sflag:s19], $0x4000  }
0x7f: {  	p0 =	sne.s32 s23, s17;
	[sflag:s19] =	ssyncset.done $0x0  }
.Ltmp2:
0x80: {  	[sflag:s19] =	ssyncadd.s32 $0xFFFFC000;
	(pc) =	sbr.rel @p0 .LBB2_1-.Ltmp2, $4  }
0x81: {  	[hbm4b:s16+s3] =	stream.linear.scatter [tilespmem:s18], [sflag:$0x2], $0x4000, $0x38;
	[tilespmem:$0x1D000] =	vst v63  }
0x82: {  	_ =	swait.ge [sflag:s19], $0x4000  }
0x83: {  	[sflag:s19] =	ssyncset.done $0x0  }
0x84: {  	[sflag:s19] =	ssyncadd.s32 $0xFFFFC000  }
0x85: {  	_ =	sfence.sel $0x180000  }
0x86: {  	[bflag:$0x0] =	sbarrier.arrive $0xFFFF  }
0x87: {  	p0 =	sne.s32 s1, $0x0;
	_ =	strace $0x9000004D  }
0x88: {  	s0 =	sadd.s32 @!p0 $0x100000, s0;
	[bflag:$0x2] =	sbarrier.arrive $0xFFFF  }
0x89: {  	[sflag:s0] =	ssyncadd.tile.s32 @!p0 $0x1;
	_ =	shalt  }
.Lfunc_end2:
_tile_overlayer_lowered:
.L_overlay_start_2:
0x8a: {  	(tag) =	ssettag $0x2  }
0x8b: {  	s0 =	rddreg [dreg:$0x0];
	s2 =	stileid.u32  }
0x8c: {  	s1 =	rddreg [dreg:$0x1];
	p0 =	sne.s32 s2, $0x0  }
0x8d: {  	s3 =	rddreg [dreg:$0x2];
	[bflag:$0x3] =	sbarrier.arrive $0xFFFF;
	s2 =	simm.s32 @!p0 $0x1C02  }
0x8e: {  	[timem:s3], [sflag:s2] =	dma.local @!p0 [hbm:s0], s1  }
0x8f: {  	s0 =	simm.s32 @!p0 $0x2  }
0x90: {  	_ =	swait.ge @!p0 [sflag:s0], s1  }
0x91: {  	s1 =	ssub.s32 @!p0 $0x0, s1;
	[sflag:s0] =	ssyncset.done @!p0 $0x0  }
0x92: {  	[sflag:s0] =	ssyncadd.s32 @!p0 s1  }
0x93: {  	[bflag:$0x3] =	sbarrier.arrive $0xFFFF  }
0x94: {  	_ =	shalt  }

// kernel: kernel.8.cloned.1.call-start
scs
__scs_entry_jumppad:
0x0: {  	(pc) =	sbr.rel $0x88, $3  }
0x1: {  	(tag) =	ssettag $0x0;
	lr =	simm.s32 $0x1  }
0x2: {  	[smem:$0x3F9B] =	sst lr;
	_ =	strace $0xD0000000  }
0x3: {  	_ = 	snop  }
0x4: {  	_ = 	snop  }
0x5: {  	_ = 	snop  }
0x6: {  	_ = 	snop  }
0x7: {  	_ = 	snop  }
__scs_overlays_trampoline_lowered:
0x8: {  	[smem:$0x3FAA] =	sst s0  }
0x9: {  	[smem:$0x3FAB] =	sst s1  }
0xa: {  	[smem:$0x3FAC] =	sst s2  }
0xb: {  	[smem:$0x3FAD] =	sst s3  }
0xc: {  	[smem:$0x3FAE] =	sst s4  }
0xd: {  	[smem:$0x3FAF] =	sst s5  }
0xe: {  	[smem:$0x3FB0] =	sst s6  }
0xf: {  	[smem:$0x3FB1] =	sst s7  }
0x10: {  	[smem:$0x3FB2] =	sst s8  }
0x11: {  	[smem:$0x3FB3] =	sst s9;
	s0 =	simm.s32 @!p0 $0x0  }
0x12: {  	s1 =	sld [smem:$0x3F99];
	s0 =	simm.s32 @p0 $0x1  }
0x13: {  	[smem:$0x3FB4] =	sst s0;
	s0 =	simm.s32 @!p1 $0x0  }
0x14: {  	s2 =	sld [smem:$0x3F98];
	s0 =	simm.s32 @p1 $0x1  }
0x15: {  	[smem:$0x3FB5] =	sst s0;
	s0 =	simm.s32 @!p2 $0x0  }
0x16: {  	s3 =	sld [smem:$0x3FDB];
	s0 =	simm.s32 @p2 $0x1  }
0x17: {  	s4 =	simm.s32 $0x1BF5;
	[smem:$0x3FB7] =	sst s0  }
0x18: {  	s0 =	sld [smem:$0x3F9A];
	_ =	swait.ge [sflag:s4], $0x0  }
0x19: {  	s7 =	sld [smem:$0x3F9B]  }
0x1a: {  	s8 =	sadd.s32 $0xFFFFE003, lr  }
0x1b: {  	s9 =	sadd.s32 $0xFFFFFEF7, lr;
	s5 =	simm.s32 $0xFFFFFFFF;
	p2 =	slt.u32 s8, $0xFFFFF086  }
0x1c: {  	p1 =	slt.u32 s9, $0xF7A;
	s5 =	simm.s32 @!p2 $0x0  }
0x1d: {  	s5 =	simm.s32 @p1 $0x1;
	p0 =	seq.s32 s7, s2  }
0x1e: {  	s7 =	smul.u32 @!p0 $0xF7A, s2;
	p2 =	seq.s32 @!p0 s5, $0x0  }
0x1f: {  	s9 =	smul.u32 $0xF7A, s1;
	s8 =	simm.s32 @!p0 $0x1BF5;
	p2 =	por !p2, p0  }
0x20: {  	[sflag:s8] =	ssyncset.s32 @!p0 $0xFFFFF086;
	s6 =	sadd.s32 @!p0 s3, s7;
	s7 =	simm.s32 @!p0 $0x108  }
0x21: {  	s3 =	sadd.s32 s3, s9;
	s6 =	sadd.s32 @!p0 $0x88, s6;
	s7 =	simm.s32 @p2 $0x1082  }
0x22: {  	[simem:s7], [sflag:s8] =	dma.local @!p0 [hbm:s6], $0xF7A  }
0x23: {  	s9 =	sor.u32 $0xD0000000, s2;
	s6 =	simm.s32 $0x108;
	_ =	swait.ge @!p0 [sflag:s8], $0x0  }
0x24: {  	s3 =	sadd.s32 $0x88, s3;
	s6 =	simm.s32 @!p1 $0x1082;
	[sflag:s4] =	ssyncset.s32 $0xFFFFF086  }
0x25: {  	[simem:s6], [sflag:s4] =	dma.local [hbm:s3], $0xF7A  }
0x26: {  	[smem:$0x3F9B] =	sst s1;
	(tag) =	ssettag s2;
	_ =	strace s9  }
0x27: {  	s1 =	sld [smem:$0x3FAB]  }
0x28: {  	s2 =	sld [smem:$0x3FAC]  }
0x29: {  	s4 =	sld [smem:$0x3FAE]  }
0x2a: {  	p0 =	seq.s32 s5, $0x0;
	s5 =	sld [smem:$0x3FAF]  }
0x2b: {  	s6 =	sld [smem:$0x3FB0]  }
0x2c: {  	s7 =	sld [smem:$0x3FB1]  }
0x2d: {  	s3 =	simm.s32 $0x108;
	s8 =	sld [smem:$0x3FB2]  }
0x2e: {  	s3 =	simm.s32 @!p0 $0x1082;
	s9 =	sld [smem:$0x3FB3]  }
0x2f: {  	lr =	sadd.s32 s0, s3;
	s0 =	sld [smem:$0x3FAA]  }
0x30: {  	s3 =	sld [smem:$0x3FAD]  }
0x31: {  	[smem:$0x3FB6] =	sst s10  }
0x32: {  	s10 =	sld [smem:$0x3FB4];
	_ =	sdelay $0x3  }
0x33: {  	p0 =	seq.s32 s10, $0x1;
	s10 =	sld [smem:$0x3FB6];
	_ =	sdelay $0x3  }
0x34: {  	[smem:$0x3FB6] =	sst s10  }
0x35: {  	s10 =	sld [smem:$0x3FB5];
	_ =	sdelay $0x3  }
0x36: {  	p1 =	seq.s32 s10, $0x1;
	s10 =	sld [smem:$0x3FB6];
	_ =	sdelay $0x3  }
0x37: {  	[smem:$0x3FB6] =	sst s10  }
0x38: {  	s10 =	sld [smem:$0x3FB7]  }
0x39: {  	_ = 	snop;
	(pc) =	sbr.ind lr, $3  }
0x3a: {  	_ = 	snop  }
0x3b: {  	_ = 	snop  }
0x3c: {  	p2 =	seq.s32 s10, $0x1;
	s10 =	sld [smem:$0x3FB6]  }
0x3d: {  	_ =	shalt  }
0x3e: {  	_ =	shalt  }
0x3f: {  	_ =	shalt  }
0x40: {  	_ =	shalt  }
0x41: {  	_ =	shalt  }
0x42: {  	_ =	shalt  }
0x43: {  	_ =	shalt  }
0x44: {  	_ =	shalt  }
0x45: {  	_ =	shalt  }
0x46: {  	_ =	shalt  }
0x47: {  	_ =	shalt  }
0x48: {  	_ =	shalt  }
0x49: {  	_ =	shalt  }
0x4a: {  	_ =	shalt  }
0x4b: {  	_ =	shalt  }
0x4c: {  	_ =	shalt  }
0x4d: {  	_ =	shalt  }
0x4e: {  	_ =	shalt  }
0x4f: {  	_ =	shalt  }
0x50: {  	_ =	shalt  }
0x51: {  	_ =	shalt  }
0x52: {  	_ =	shalt  }
0x53: {  	_ =	shalt  }
0x54: {  	_ =	shalt  }
0x55: {  	_ =	shalt  }
0x56: {  	_ =	shalt  }
0x57: {  	_ =	shalt  }
0x58: {  	_ =	shalt  }
0x59: {  	_ =	shalt  }
0x5a: {  	_ =	shalt  }
0x5b: {  	_ =	shalt  }
0x5c: {  	_ =	shalt  }
0x5d: {  	_ =	shalt  }
0x5e: {  	_ =	shalt  }
0x5f: {  	_ =	shalt  }
0x60: {  	_ =	shalt  }
0x61: {  	_ =	shalt  }
0x62: {  	_ =	shalt  }
0x63: {  	_ =	shalt  }
0x64: {  	_ =	shalt  }
0x65: {  	_ =	shalt  }
0x66: {  	_ =	shalt  }
0x67: {  	_ =	shalt  }
0x68: {  	_ =	shalt  }
0x69: {  	_ =	shalt  }
0x6a: {  	_ =	shalt  }
0x6b: {  	_ =	shalt  }
0x6c: {  	_ =	shalt  }
0x6d: {  	_ =	shalt  }
0x6e: {  	_ =	shalt  }
0x6f: {  	_ =	shalt  }
0x70: {  	_ =	shalt  }
0x71: {  	_ =	shalt  }
0x72: {  	_ =	shalt  }
0x73: {  	_ =	shalt  }
0x74: {  	_ =	shalt  }
0x75: {  	_ =	shalt  }
0x76: {  	_ =	shalt  }
0x77: {  	_ =	shalt  }
0x78: {  	_ =	shalt  }
0x79: {  	_ =	shalt  }
0x7a: {  	_ =	shalt  }
0x7b: {  	_ =	shalt  }
0x7c: {  	_ =	shalt  }
0x7d: {  	_ =	shalt  }
0x7e: {  	_ =	shalt  }
0x7f: {  	_ =	shalt  }
0x80: {  	_ =	shalt  }
0x81: {  	_ =	shalt  }
0x82: {  	_ =	shalt  }
0x83: {  	_ =	shalt  }
0x84: {  	_ =	shalt  }
0x85: {  	_ =	shalt  }
0x86: {  	_ =	shalt  }
0x87: {  	_ =	shalt  }
.Lfunc_end0:
.L_simem_size_0:
called_computation_lowered:
.L_overlay_start_0:
0x88: {  	s2 =	sld [smem:$0x3FD9]  }
0x89: {  	s3 =	sld [smem:$0x3FFE];
	_ =	sdelay $0x1  }
0x8a: {  	s1 =	srdreg.scid  }
0x8b: {  	s0 =	sand.u32 $0x1, s1  }
0x8c: {  	s17 =	sshll.u32 s0, $0xA;
	s2 =	sadd.s32 s3, s2  }
0x8d: {  	s2 =	sadd.s32 s2, s17  }
0x8e: {  	[smem:$0x3FC2] =	sst s2  }
0x8f: {  	_ = 	snop  }
0x90: {  	s2 =	sld [smem:$0x3FD0];
	(tm) =	ssettm $0x1  }
0x91: {  	s18 =	sld [smem:$0x3FFB];
	_ =	sdelay $0x3  }
0x92: {  	_ =	strace s18  }
0x93: {  	s3 =	sld [smem:$0x3FFC];
	_ =	sdelay $0x3  }
0x94: {  	_ =	strace s3  }
0x95: {  	s3 =	sld [smem:$0x3FFD];
	_ =	sdelay $0x3  }
0x96: {  	_ =	strace s3  }
0x97: {  	_ =	strace $0x8FFFFFFF  }
0x98: {  	s19 =	sld [smem:$0x3FDB];
	_ =	sdelay $0x1  }
0x99: {  	s4 =	simm.s32 $_scs_section_size  }
0x9a: {  	s5 =	simm.s32 $_size__tile_overlayer_lowered;
	s6 =	simm.s32 $_tile_overlayer_lowered  }
0x9b: {  	s22 =	simm.s32 $0x1BFF;
	s21 =	sshll.u32 s6, $0x1;
	s3 =	sadd.s32 s4, s19  }
0x9c: {  	s7 =	simm.s32 $0x0;
	s20 =	sshll.u32 s5, $0x1;
	s5 =	sadd.s32 s21, s3  }
0x9d: {  	[timem:s7], [sflag:s22] =	dma.local [hbm:s5], s20  }
0x9e: {  	_ =	swait.ge [sflag:s22], s20  }
0x9f: {  	s4 =	ssub.s32 $0x0, s20;
	[sflag:s22] =	ssyncset.done $0x0  }
0xa0: {  	[sflag:s22] =	ssyncadd.s32 s4;
	_ =	sdelay $0x1  }
0xa1: {  	s23 =	simm.s32 $0x1B8B  }
0xa2: {  	_ =	swait.ge [sflag:s23], $0x1  }
0xa3: {  	[sflag:s23] =	ssyncset.done $0x0  }
0xa4: {  	s25 =	simm.s32 $0x1B8E;
	s24 =	sld [smem:$0x3FFE];
	[sflag:s23] =	ssyncadd.s32 $0xFFFFFFFF  }
0xa5: {  	s26 =	simm.s32 $execute0_lowered;
	[smem:$0x3FD2] =	sst s25  }
0xa6: {  	s5 =	sshll.u32 s26, $0x1;
	_ =	strace $0x80000046;
	[dreg:$0x1] =	wrdreg $0xFFFFFFFF  }
0xa7: {  	s28 =	simm.s32 $_size_execute0_lowered;
	s3 =	sadd.s32 s3, s5;
	[dreg:$0x0] =	wrdreg $0x0  }
0xa8: {  	s5 =	sshll.u32 s28, $0x1;
	[dreg:$0x2] =	wrdreg s3  }
0xa9: {  	[dreg:$0x3] =	wrdreg s5  }
0xaa: {  	[dreg:$0x4] =	wrdreg $0xC0  }
0xab: {  	_ =	task [dreg:s7], $0x5FFFF  }
0xac: {  	[dreg:$0x1] =	wrdreg $0xFFFFFFFF  }
0xad: {  	[dreg:$0x0] =	wrdreg $0x60  }
0xae: {  	[dreg:$0x2] =	wrdreg s2  }
0xaf: {  	[dreg:$0x3] =	wrdreg s24  }
0xb0: {  	[dreg:$0x4] =	wrdreg $0x68000  }
0xb1: {  	[dreg:$0x5] =	wrdreg $0x9  }
0xb2: {  	_ =	task.clear_ibuf [dreg:s7], $0x6FFFF;
	_ =	strace $0x90000046  }
0xb3: {  	s29 =	simm.s32 $0x9;
	_ =	strace $0x80000048  }
0xb4: {  	_ =	swait.ge [sflag:s29], $0x1  }
0xb5: {  	[sflag:s29] =	ssyncadd.s32 $0xFFFFFFFF  }
0xb6: {  	_ =	strace $0x90000048  }
0xb7: {  	_ =	sfence  }
0xb8: {  	s30 =	sld [smem:$0x0];
	_ =	sdelay $0x2  }
0xb9: {  	s31 =	sshll.u32 s1, $0xD;
	s1 =	sshrl.u32 s1, $0x2  }
0xba: {  	s3 =	sand.u32 $0x4000, s31;
	s1 =	sadd.s32 s1, s30  }
0xbb: {  	s0 =	sor.u32 s3, s0;
	s1 =	sshll.u32 s1, $0x11  }
0xbc: {  	s0 =	sor.u32 s1, s0  }
0xbd: {  	s0 =	sadd.s32 $0x8F2B, s0  }
0xbe: {  	[sflag:s0] =	ssyncadd.remote.s32 $0x1  }
0xbf: {  	_ =	sfence.sel $0xFFFF  }
0xc0: {  	[dreg:$0x0] =	wrdreg $0xFFFFFFFF;
	(pc) =	sbr.abs _section_cstart, $3  }
0xc1: {  	[dreg:$0x1] =	wrdreg $0xFFFFFFFF  }
0xc2: {  	_ =	task.clear_ibuf [dreg:s7], $0x2FFFF;
	_ =	strace $0x9FFFFFFF  }
0xc3: {  	(tm) =	ssettm $0x7FFFFFFF  }
tec
execute0_lowered:
.L_overlay_start_1:
0x0: {  	(tag) =	ssettag $0x1  }
0x1: {  	s9 =	rddreg [dreg:$0x0]  }
0x2: {  	s4 =	rddreg [dreg:$0x1]  }
0x3: {  	s2 =	rddreg [dreg:$0x2];
	s3 =	srdreg.scid  }
0x4: {  	s0 =	rddreg [dreg:$0x3];
	s1 =	stileid.u32;
	s19 =	simm.s32 $0x80  }
0x5: {  	s20 =	simm.s32 $0x0;
	s6 =	sand.u32 $0x1, s3;
	s7 =	smul.u32 $0x50000, s1  }
0x6: {  	s3 =	simm.s32 $0x0;
	s10 =	smul.u32 $0x14000, s1;
	s14 =	sadd.s32 $0x2C00, s4  }
0x7: {  	s5 =	ssub.s32 $0x2, s6;
	[smem:$0x7FF] =	sst s3;
	s29 =	sshll.u32 s6, $0x4  }
0x8: {  	s16 =	smul.u32 $0x140000, s6;
	s8 =	sshrl.u32 s5, $0x1;
	_ =	strace $0x80000047  }
0x9: {  	s30 =	sshrl.u32 s7, $0x2;
	s31 =	sadd.s32 $0x4000, s10;
	s11 =	sor.u32 s1, s29  }
0xa: {  	s12 =	sadd.s32 $0x8000, s10;
	s13 =	sadd.s32 $0xC000, s10;
	s17 =	sadd.s32 $0x10000, s10  }
0xb: {  	s15 =	ssub.s32 s5, s8;
	s4 =	sadd.s32 s30, s2;
	s5 =	sadd.s32 s31, s2  }
0xc: {  	s6 =	sadd.s32 s12, s2;
	s7 =	sadd.s32 s13, s2;
	s11 =	smul.u32 $0x500, s11  }
0xd: {  	s10 =	sadd.s32 s10, s16;
	s18 =	sadd.s32 s16, s31;
	s8 =	sadd.s32 s17, s2  }
0xe: {  	s12 =	sadd.s32 s16, s12;
	s13 =	sadd.s32 s16, s13;
	s16 =	sadd.s32 s16, s17  }
0xf: {  	s17 =	simm.s32 $0x2;
	s10 =	sshrl.u32 s10, $0x3;
	s18 =	sshrl.u32 s18, $0x3  }
0x10: {  	s12 =	sshrl.u32 s12, $0x3;
	s13 =	sshrl.u32 s13, $0x3;
	s16 =	sshrl.u32 s16, $0x3  }
0x11: {  	s15 =	smax.u32 s15, $0x1;
	s9 =	sadd.s32 s9, s11;
	s10 =	sadd.s32 s14, s10  }
0x12: {  	s11 =	sadd.s32 s14, s18;
	s12 =	sadd.s32 s14, s12;
	s13 =	sadd.s32 s14, s13  }
0x13: {  	v0 =	vimm.f32 $0.0e+00;
	v1 =	vimm.f32 $1.000000000e+00;
	s14 =	sadd.s32 s14, s16;
	s16 =	simm.s32 $0x2800;
	s18 =	simm.s32 $0x1  }
.LBB2_1:
0x14: {  	s21 =	simm.s32 $0x200;
	s22 =	simm.s32 $0x0  }
.LBB2_2:
0x15: {  	p0 =	sne.s32 s21, $0xFE00;
	[tilespmem:s22+$0x2800] =	vst v0;
	s22 =	smov.u32 s21;
	s21 =	sadd.s32 $0x200, s21  }
.Ltmp0:
0x16: {  	(pc) =	sbr.rel @p0 .LBB2_2-.Ltmp0, $2  }
0x17: {  	_ =	sdelay $0x2  }
0x18: {  	s22 =	sshra.s32 s22, $0x2  }
0x19: {  	[tilespmem:s22+$0x2800] =	vst v0  }
0x1a: {  	[spmem:s4] =	stream.linear.scatter [tilespmem:s16], [sflag:$0x2], $0x4000, $0x38;
	[tilespmem:$0x9000] =	vst v63  }
0x1b: {  	_ =	swait.ge [sflag:s17], $0x4000  }
0x1c: {  	[sflag:s17] =	ssyncset.done $0x0  }
0x1d: {  	[sflag:s17] =	ssyncadd.s32 $0xFFFFC000  }
0x1e: {  	[spmem:s5] =	stream.linear.scatter [tilespmem:s16], [sflag:$0x2], $0x4000, $0x38;
	[tilespmem:$0x9000] =	vst v63  }
0x1f: {  	_ =	swait.ge [sflag:s17], $0x4000  }
0x20: {  	[sflag:s17] =	ssyncset.done $0x0  }
0x21: {  	[sflag:s17] =	ssyncadd.s32 $0xFFFFC000  }
0x22: {  	[spmem:s6] =	stream.linear.scatter [tilespmem:s16], [sflag:$0x2], $0x4000, $0x38;
	[tilespmem:$0x9000] =	vst v63  }
0x23: {  	_ =	swait.ge [sflag:s17], $0x4000  }
0x24: {  	[sflag:s17] =	ssyncset.done $0x0  }
0x25: {  	[sflag:s17] =	ssyncadd.s32 $0xFFFFC000  }
0x26: {  	[spmem:s7] =	stream.linear.scatter [tilespmem:s16], [sflag:$0x2], $0x4000, $0x38;
	[tilespmem:$0x9000] =	vst v63  }
0x27: {  	_ =	swait.ge [sflag:s17], $0x4000  }
0x28: {  	[sflag:s17] =	ssyncset.done $0x0  }
0x29: {  	[sflag:s17] =	ssyncadd.s32 $0xFFFFC000  }
0x2a: {  	[spmem:s8] =	stream.linear.scatter [tilespmem:s16], [sflag:$0x2], $0x4000, $0x38;
	[tilespmem:$0x9000] =	vst v63  }
0x2b: {  	_ =	swait.ge [sflag:s17], $0x4000  }
0x2c: {  	[sflag:s17] =	ssyncset.done $0x0  }
0x2d: {  	[sflag:s17] =	ssyncadd.s32 $0xFFFFC000  }
0x2e: {  	s21 =	simm.s32 $0x200;
	s22 =	simm.s32 $0x0;
	[bflag:$0x0] =	sbarrier.arrive $0xFFFF  }
.LBB2_4:
0x2f: {  	p0 =	sne.s32 s21, $0xFE00;
	[tilespmem:s22+$0x2800] =	vst v1;
	s22 =	smov.u32 s21;
	s21 =	sadd.s32 $0x200, s21  }
.Ltmp1:
0x30: {  	(pc) =	sbr.rel @p0 .LBB2_4-.Ltmp1, $2  }
0x31: {  	_ =	sdelay $0x2  }
0x32: {  	s22 =	sshra.s32 s22, $0x2  }
0x33: {  	[tilespmem:s22+$0x2800] =	vst v1;
	s21 =	simm.s32 $0x0  }
0x34: {  	[tilespmem:s21], [sflag:$0x1] =	stream.linear.gather [hbm4b:s9+s21], $0x2780, $0x38;
	[tilespmem:$0x9000] =	vst v63  }
0x35: {  	_ =	swait.ge [sflag:s18], $0x2780  }
0x36: {  	[sflag:s18] =	ssyncset.done $0x0  }
0x37: {  	s31 =	simm.s32 $0x0;
	[sflag:s18] =	ssyncadd.s32 $0xFFFFD880  }
0x38: {  	[spmem:s2] =	stream.indirect.scatter.add.f32 [tilespmem:s16], [sflag:$0x2], $0x10, s31, s19, $0xb8;
	[tilespmem:$0x9000] =	vst v63  }
0x39: {  	_ =	swait.ge [sflag:s17], $0x800  }
0x3a: {  	s21 =	simm.s32 $0x200;
	[sflag:s17] =	ssyncset.done $0x0  }
.LBB2_6:
0x3b: {  	s22 =	sshra.s32 s21, $0x2;
	[sflag:s17] =	ssyncadd.s32 $0xFFFFF800;
	p0 =	sne.s32 s21, $0x9C00  }
0x3c: {  	[spmem:s2] =	stream.indirect.scatter.add.f32 [tilespmem:s16], [sflag:$0x2], $0x10, s22, s19, $0xb8;
	[tilespmem:$0x9000] =	vst v63  }
.Ltmp2:
0x3d: {  	_ = 	snop;
	(pc) =	sbr.rel @p0 .LBB2_6-.Ltmp2, $4  }
0x3e: {  	_ = 	snop  }
0x3f: {  	s21 =	sadd.s32 $0x200, s21  }
0x40: {  	_ =	swait.ge [sflag:s17], $0x800  }
0x41: {  	[sflag:s17] =	ssyncset.done $0x0  }
0x42: {  	[sflag:s17] =	ssyncadd.s32 $0xFFFFF800  }
0x43: {  	[bflag:$0x0] =	sbarrier.arrive $0xFFFF  }
0x44: {  	[tilespmem:s16], [sflag:$0x2] =	stream.linear.gather [spmem:s4], $0x4000, $0x38;
	[tilespmem:$0x9000] =	vst v63  }
0x45: {  	_ =	swait.ge [sflag:s17], $0x4000  }
0x46: {  	[sflag:s17] =	ssyncset.done $0x0  }
0x47: {  	[sflag:s17] =	ssyncadd.s32 $0xFFFFC000  }
0x48: {  	[hbm4b:s10+s3] =	stream.linear.scatter [tilespmem:s16], [sflag:$0x2], $0x4000, $0x38;
	[tilespmem:$0x9000] =	vst v63  }
0x49: {  	_ =	swait.ge [sflag:s17], $0x4000  }
0x4a: {  	[sflag:s17] =	ssyncset.done $0x0  }
0x4b: {  	[sflag:s17] =	ssyncadd.s32 $0xFFFFC000  }
0x4c: {  	[tilespmem:s16], [sflag:$0x2] =	stream.linear.gather [spmem:s5], $0x4000, $0x38;
	[tilespmem:$0x9000] =	vst v63  }
0x4d: {  	_ =	swait.ge [sflag:s17], $0x4000  }
0x4e: {  	[sflag:s17] =	ssyncset.done $0x0  }
0x4f: {  	[sflag:s17] =	ssyncadd.s32 $0xFFFFC000  }
0x50: {  	[hbm4b:s11+s3] =	stream.linear.scatter [tilespmem:s16], [sflag:$0x2], $0x4000, $0x38;
	[tilespmem:$0x9000] =	vst v63  }
0x51: {  	_ =	swait.ge [sflag:s17], $0x4000  }
0x52: {  	[sflag:s17] =	ssyncset.done $0x0  }
0x53: {  	[sflag:s17] =	ssyncadd.s32 $0xFFFFC000  }
0x54: {  	[tilespmem:s16], [sflag:$0x2] =	stream.linear.gather [spmem:s6], $0x4000, $0x38;
	[tilespmem:$0x9000] =	vst v63  }
0x55: {  	_ =	swait.ge [sflag:s17], $0x4000  }
0x56: {  	[sflag:s17] =	ssyncset.done $0x0  }
0x57: {  	[sflag:s17] =	ssyncadd.s32 $0xFFFFC000  }
0x58: {  	[hbm4b:s12+s3] =	stream.linear.scatter [tilespmem:s16], [sflag:$0x2], $0x4000, $0x38;
	[tilespmem:$0x9000] =	vst v63  }
0x59: {  	_ =	swait.ge [sflag:s17], $0x4000  }
0x5a: {  	[sflag:s17] =	ssyncset.done $0x0  }
0x5b: {  	[sflag:s17] =	ssyncadd.s32 $0xFFFFC000  }
0x5c: {  	[tilespmem:s16], [sflag:$0x2] =	stream.linear.gather [spmem:s7], $0x4000, $0x38;
	[tilespmem:$0x9000] =	vst v63  }
0x5d: {  	_ =	swait.ge [sflag:s17], $0x4000  }
0x5e: {  	[sflag:s17] =	ssyncset.done $0x0  }
0x5f: {  	[sflag:s17] =	ssyncadd.s32 $0xFFFFC000  }
0x60: {  	[hbm4b:s13+s3] =	stream.linear.scatter [tilespmem:s16], [sflag:$0x2], $0x4000, $0x38;
	[tilespmem:$0x9000] =	vst v63  }
0x61: {  	_ =	swait.ge [sflag:s17], $0x4000  }
0x62: {  	[sflag:s17] =	ssyncset.done $0x0  }
0x63: {  	[sflag:s17] =	ssyncadd.s32 $0xFFFFC000  }
0x64: {  	[tilespmem:s16], [sflag:$0x2] =	stream.linear.gather [spmem:s8], $0x4000, $0x38;
	[tilespmem:$0x9000] =	vst v63  }
0x65: {  	s20 =	sadd.s32 $0x1, s20;
	_ =	swait.ge [sflag:s17], $0x4000  }
0x66: {  	p0 =	sne.s32 s20, s15;
	[sflag:s17] =	ssyncset.done $0x0  }
.Ltmp3:
0x67: {  	[sflag:s17] =	ssyncadd.s32 $0xFFFFC000;
	(pc) =	sbr.rel @p0 .LBB2_1-.Ltmp3, $4  }
0x68: {  	[hbm4b:s14+s3] =	stream.linear.scatter [tilespmem:s16], [sflag:$0x2], $0x4000, $0x38;
	[tilespmem:$0x9000] =	vst v63  }
0x69: {  	_ =	swait.ge [sflag:s17], $0x4000  }
0x6a: {  	[sflag:s17] =	ssyncset.done $0x0  }
0x6b: {  	[sflag:s17] =	ssyncadd.s32 $0xFFFFC000  }
0x6c: {  	_ =	sfence.sel $0x180000  }
0x6d: {  	[bflag:$0x0] =	sbarrier.arrive $0xFFFF  }
0x6e: {  	p0 =	sne.s32 s1, $0x0;
	_ =	strace $0x90000047  }
0x6f: {  	s0 =	sadd.s32 @!p0 $0x100000, s0;
	[bflag:$0x2] =	sbarrier.arrive $0xFFFF  }
0x70: {  	[sflag:s0] =	ssyncadd.tile.s32 @!p0 $0x1;
	_ =	shalt  }
.Lfunc_end2:
_tile_overlayer_lowered:
.L_overlay_start_2:
0x71: {  	(tag) =	ssettag $0x2  }
0x72: {  	s0 =	rddreg [dreg:$0x0];
	s2 =	stileid.u32  }
0x73: {  	s1 =	rddreg [dreg:$0x1];
	p0 =	sne.s32 s2, $0x0  }
0x74: {  	s3 =	rddreg [dreg:$0x2];
	[bflag:$0x3] =	sbarrier.arrive $0xFFFF;
	s2 =	simm.s32 @!p0 $0x1C02  }
0x75: {  	[timem:s3], [sflag:s2] =	dma.local @!p0 [hbm:s0], s1  }
0x76: {  	s0 =	simm.s32 @!p0 $0x2  }
0x77: {  	_ =	swait.ge @!p0 [sflag:s0], s1  }
0x78: {  	s1 =	ssub.s32 @!p0 $0x0, s1;
	[sflag:s0] =	ssyncset.done @!p0 $0x0  }
0x79: {  	[sflag:s0] =	ssyncadd.s32 @!p0 s1  }
0x7a: {  	[bflag:$0x3] =	sbarrier.arrive $0xFFFF  }
0x7b: {  	_ =	shalt  }

</sc_bundles>
